<compile_context>
chip_gen: v7x
topology: tpu7x:2x2x1
jax: 0.10.2.dev20260603
libtpu: 0.0.44.dev20260713+nightly
codegen_flags: <defaults>
</compile_context>

<pallas_src>
import functools

import jax
import jax.numpy as jnp
from jax import lax
from jax.experimental import pallas as pl
from jax.experimental.pallas import tpu as pltpu
from jax.experimental.pallas import tpu_sc as plsc

NN = 10000
NP = 10112
D_IN = 128
D_HID = 128
D_OUT = 64
EDGES = 320000
CH = 128
EP = 323584
NCH = EP // CH
NC = 2
NS = 16
TCH = NCH // (NC * NS)
RPT = NP // NS

_mesh = lambda: plsc.VectorSubcoreMesh(
    core_axis_name="c", subcore_axis_name="s", num_cores=NC, num_subcores=NS)


def _zero_vmem_rows(ref, nrows, width):
  def zrow(i, carry):
    for k in range(width // 16):
      ref[i, pl.ds(k * 16, 16)] = jnp.zeros((16,), jnp.float32)
    return carry
  lax.fori_loop(0, nrows, zrow, None)


def _zero_acc_slice(zbuf, acc, base):
  for t in range(RPT // CH):
    pltpu.sync_copy(zbuf, acc.at[pl.ds(base + t * CH, CH)])
  rem = RPT % CH
  if rem:
    pltpu.sync_copy(zbuf.at[pl.ds(0, rem)], acc.at[pl.ds(base + (RPT // CH) * CH, rem)])


def _make_deg_kernel():
  @functools.partial(
      pl.kernel,
      out_type=jax.ShapeDtypeStruct((NC * NS, NP // 128, 128), jnp.float32),
      mesh=_mesh(),
      compiler_params=pltpu.CompilerParams(needs_layout_passes=False),
      scratch_types=[
          pltpu.VMEM((TCH, CH), jnp.int32),
          pltpu.VMEM((NP // 128, 128), jnp.float32),
      ],
  )
  def deg_kernel(dst_hbm, out_hbm, dst_v, hist):
    c = lax.axis_index("c")
    s = lax.axis_index("s")
    wid = c * NS + s
    pltpu.sync_copy(dst_hbm.at[wid], dst_v)

    def zero(i, carry):
      for k in range(8):
        hist[i, pl.ds(k * 16, 16)] = jnp.zeros((16,), jnp.float32)
      return carry
    lax.fori_loop(0, NP // 128, zero, None)

    def body(j, carry):
      for k in range(CH // 16):
        v = dst_v[j, pl.ds(k * 16, 16)]
        cnt, last = plsc.scan_count(v)
        plsc.addupdate_scatter(
            hist, [v >> 7, v & 127], cnt.astype(jnp.float32), mask=last)
      return carry
    lax.fori_loop(0, TCH, body, None)
    pltpu.sync_copy(hist, out_hbm.at[wid])

  return deg_kernel


def _make_scatter_kernel(width):
  @functools.partial(
      pl.kernel,
      out_type=jax.ShapeDtypeStruct((NC, NP, width), jnp.float32),
      mesh=_mesh(),
      scratch_types=[
          pltpu.VMEM((TCH, CH), jnp.int32),
          pltpu.VMEM((TCH, CH), jnp.int32),
          pltpu.VMEM((CH, width), jnp.float32),
          pltpu.VMEM_SHARED((NP, width), jnp.float32),
          pltpu.SemaphoreType.DMA,
      ],
  )
  def scat_kernel(table_hbm, src_hbm, dst_hbm, out_hbm,
                  src_v, dst_v, rows_v, acc, sem):
    c = lax.axis_index("c")
    s = lax.axis_index("s")
    wid = c * NS + s
    pltpu.sync_copy(src_hbm.at[wid], src_v)
    pltpu.sync_copy(dst_hbm.at[wid], dst_v)
    _zero_vmem_rows(rows_v, CH, width)
    _zero_acc_slice(rows_v, acc, s * RPT)
    plsc.subcore_barrier()

    def body(j, carry):
      pltpu.async_copy(table_hbm.at[src_v.at[j]], rows_v, sem).wait()
      pltpu.sync_copy(rows_v, acc.at[dst_v.at[j]], add=True)
      return carry
    lax.fori_loop(0, TCH, body, None)
    plsc.subcore_barrier()
    pltpu.sync_copy(acc.at[pl.ds(s * RPT, RPT)], out_hbm.at[c, pl.ds(s * RPT, RPT)])

  return scat_kernel


_deg = _make_deg_kernel()
_scat_h = _make_scatter_kernel(D_HID)

RB = NP // 8


def _dis_from_partials(degp3):
  def body(p_ref, o_ref):
    deg = jnp.sum(p_ref[...], axis=0)[0] + 1.0
    dis = jnp.where(deg > 0, lax.rsqrt(jnp.maximum(deg, 1e-12)), 0.0)
    o_ref[...] = jnp.transpose(dis)
  return pl.pallas_call(
      body,
      grid=(NP // 128,),
      in_specs=[pl.BlockSpec((NC * NS, 1, 1, 128), lambda i: (0, i, 0, 0))],
      out_specs=pl.BlockSpec((128, 1), lambda i: (i, 0)),
      out_shape=jax.ShapeDtypeStruct((NP, 1), jnp.float32))(degp3)


def _g1_matmul(xp, W1, dis):
  def body(x_ref, w_ref, d_ref, o_ref):
    o_ref[...] = jnp.dot(x_ref[...], w_ref[...],
                         preferred_element_type=jnp.float32) * d_ref[...]
  return pl.pallas_call(
      body,
      grid=(NP // RB,),
      in_specs=[
          pl.BlockSpec((RB, D_IN), lambda i: (i, 0)),
          pl.BlockSpec((D_IN, D_HID), lambda i: (0, 0)),
          pl.BlockSpec((RB, 1), lambda i: (i, 0)),
      ],
      out_specs=pl.BlockSpec((RB, D_HID), lambda i: (i, 0)),
      out_shape=jax.ShapeDtypeStruct((NP, D_HID), jnp.float32),
  )(xp, W1, dis)


def _u_layer(p1, g1, dis, b1):
  def body(p_ref, g_ref, d_ref, b_ref, o_ref):
    d = d_ref[...]
    agg = p_ref[0] + p_ref[1] + g_ref[...]
    o_ref[...] = jnp.maximum(agg * d + b_ref[...], 0.0) * d
  return pl.pallas_call(
      body,
      grid=(NP // RB,),
      in_specs=[
          pl.BlockSpec((NC, RB, D_HID), lambda i: (0, i, 0)),
          pl.BlockSpec((RB, D_HID), lambda i: (i, 0)),
          pl.BlockSpec((RB, 1), lambda i: (i, 0)),
          pl.BlockSpec((1, D_HID), lambda i: (0, 0)),
      ],
      out_specs=pl.BlockSpec((RB, D_HID), lambda i: (i, 0)),
      out_shape=jax.ShapeDtypeStruct((NP, D_HID), jnp.float32),
  )(p1, g1, dis, b1)


def _final(p2, u, dis, W2, b2):
  def body(p_ref, u_ref, d_ref, w_ref, b_ref, o_ref):
    agg = (p_ref[0] + p_ref[1] + u_ref[...]) * d_ref[...]
    z = jnp.dot(agg, w_ref[...],
                preferred_element_type=jnp.float32) + b_ref[...]
    m = jnp.max(z, axis=1, keepdims=True)
    e = jnp.exp(z - m)
    lse = jnp.log(jnp.sum(e, axis=1, keepdims=True)) + m
    o_ref[...] = z - lse
  return pl.pallas_call(
      body,
      grid=(NP // RB,),
      in_specs=[
          pl.BlockSpec((NC, RB, D_HID), lambda i: (0, i, 0)),
          pl.BlockSpec((RB, D_HID), lambda i: (i, 0)),
          pl.BlockSpec((RB, 1), lambda i: (i, 0)),
          pl.BlockSpec((D_HID, D_OUT), lambda i: (0, 0)),
          pl.BlockSpec((1, D_OUT), lambda i: (0, 0)),
      ],
      out_specs=pl.BlockSpec((RB, D_OUT), lambda i: (i, 0)),
      out_shape=jax.ShapeDtypeStruct((NP, D_OUT), jnp.float32),
  )(p2, u, dis, W2, b2)


def kernel(x, edge_index, W1, b1, W2, b2):
  src = edge_index[0]
  dst = edge_index[1]
  pad = EP - EDGES
  src_flat = jnp.concatenate([src, jnp.zeros((pad,), jnp.int32)])
  dst_flat = jnp.concatenate(
      [dst, NN + (jnp.arange(pad, dtype=jnp.int32) % (NP - NN))])
  src_p = src_flat.reshape(TCH, NC * NS, CH).transpose(1, 0, 2)
  dst_p = dst_flat.reshape(TCH, NC * NS, CH).transpose(1, 0, 2)
  xp = jnp.pad(x, ((0, NP - NN), (0, 0)))

  degp = _deg(dst_p)
  dis = _dis_from_partials(degp.reshape(NC * NS, NP // 128, 1, 128))
  g1 = _g1_matmul(xp, W1, dis)
  p1 = _scat_h(g1, src_p, dst_p)
  u = _u_layer(p1, g1, dis, b1.reshape(1, D_HID))
  p2 = _scat_h(u, src_p, dst_p)
  out = _final(p2, u, dis, W2, b2.reshape(1, D_OUT))
  return out[:NN]

# --- scband reference (transcript-rebuilt; emitter-appended) ---
"""Pipeline reference for scband-gcn-22522808500267 (READ-ONLY COPY).

The authoritative reference and input builder live on the scoring server;
editing this copy changes nothing except your own understanding.
"""

import jax, jax.numpy as jnp
import numpy as np

N = 10000
E = 320000
D = 128
H = 128
C = 64


def setup_inputs(seed: int = 0) -> dict:
    key = jax.random.key(seed)
    k1, k2, k3, k4, k5, k6 = jax.random.split(key, 6)
    x = jax.random.normal(k1, (N, D), dtype=jnp.float32)
    edge_index = jax.random.randint(k2, (2, E), 0, N, dtype=jnp.int32)
    W1 = jax.random.normal(k3, (D, H), dtype=jnp.float32) * 0.05
    b1 = jnp.zeros((H,), dtype=jnp.float32)
    W2 = jax.random.normal(k4, (H, C), dtype=jnp.float32) * 0.05
    b2 = jnp.zeros((C,), dtype=jnp.float32)
    return {"x": x, "edge_index": edge_index, "W1": W1, "b1": b1, "W2": W2, "b2": b2}


def _gcn_conv(x, edge_index, W, b, num_nodes):
    # PyG GCNConv: add self-loops, symmetric normalization deg^{-1/2}
    loop = jnp.arange(num_nodes, dtype=edge_index.dtype)
    src = jnp.concatenate([edge_index[0], loop])
    dst = jnp.concatenate([edge_index[1], loop])
    ones = jnp.ones_like(dst, dtype=x.dtype)
    deg = jax.ops.segment_sum(ones, dst, num_segments=num_nodes)
    deg_inv_sqrt = jnp.where(deg > 0, jax.lax.rsqrt(jnp.maximum(deg, 1e-12)), 0.0)
    norm = deg_inv_sqrt[src] * deg_inv_sqrt[dst]
    h = x @ W
    msg = jnp.take(h, src, axis=0) * norm[:, None]
    out = jax.ops.segment_sum(msg, dst, num_segments=num_nodes)
    return out + b


def reference(x, edge_index, W1, b1, W2, b2):
    h = _gcn_conv(x, edge_index, W1, b1, N)
    h = jax.nn.relu(h)
    # dropout is identity in eval mode
    h = _gcn_conv(h, edge_index, W2, b2, N)
    return jax.nn.log_softmax(h, axis=1)

if __name__ == "__main__":
    import jax
    _d = setup_inputs()
    print(jax.jit(kernel)(*tuple(_d.values())))

</pallas_src>

<mosaic_0001>
#map = affine_map<(d0, d1) -> (0, 0, 0)>
module attributes {stable_mosaic.version = 14 : i64} {
  func.func @deg_kernel(%arg0: i32, %arg1: i32, %arg2: memref<32x79x128xi32, #tpu.memory_space<hbm>>, %arg3: memref<32x79x128xf32, #tpu.memory_space<hbm>>, %arg4: memref<79x128xi32, #tpu.memory_space<vmem>>, %arg5: memref<79x128xf32, #tpu.memory_space<vmem>>) attributes {dimension_semantics = [#tpu.dimension_semantics<core_parallel>, #tpu.dimension_semantics<subcore_parallel>], iteration_bounds = array<i64: 2, 16>, scalar_prefetch = 0 : i64, scratch_operands = 2 : i64, tpu.core_type = #tpu.core_type<sc_vector_subcore>, window_params = [{transform_indices = #map}, {transform_indices = #map}]} {
    %mul3A = arith.constant 16 : i32
    %mul3A_0 = arith.muli %arg0, %mul3A : i32
    %add3A = arith.addi %mul3A_0, %arg1 : i32
    "tpu.region"() ({
      %run_scoped3A = tpu.sem_alloc : memref<!tpu.dma_semaphore, #tpu.memory_space<semaphore_mem>>
      %dma_start3A = arith.constant 0 : i32
      %dma_start3A_10 = arith.constant 0 : i32
      %dma_start3A_11 = tpu.memref_slice %arg2[%add3A, %dma_start3A, %dma_start3A_10] : memref<32x79x128xi32, #tpu.memory_space<hbm>> -> memref<1x79x128xi32, #tpu.memory_space<hbm>>
      %dma_start3A_12 = tpu.memref_squeeze %dma_start3A_11 : memref<1x79x128xi32, #tpu.memory_space<hbm>> -> memref<79x128xi32, #tpu.memory_space<hbm>>
      %dma_start3A_13 = arith.constant 0 : i32
      %dma_start3A_14 = arith.constant 0 : i32
      %dma_start3A_15 = tpu.memref_slice %arg2[%add3A, %dma_start3A_13, %dma_start3A_14] : memref<32x79x128xi32, #tpu.memory_space<hbm>> -> memref<1x79x128xi32, #tpu.memory_space<hbm>>
      %dma_start3A_16 = tpu.memref_squeeze %dma_start3A_15 : memref<1x79x128xi32, #tpu.memory_space<hbm>> -> memref<79x128xi32, #tpu.memory_space<hbm>>
      tpu.enqueue_dma source(%dma_start3A_16 : memref<79x128xi32, #tpu.memory_space<hbm>>) target(%arg4 : memref<79x128xi32, #tpu.memory_space<vmem>>) target_semaphore(%run_scoped3A : memref<!tpu.dma_semaphore, #tpu.memory_space<semaphore_mem>>)
      %dma_wait3A = arith.constant 0 : i32
      %dma_wait3A_17 = arith.constant 0 : i32
      %dma_wait3A_18 = tpu.memref_slice %arg2[%add3A, %dma_wait3A, %dma_wait3A_17] : memref<32x79x128xi32, #tpu.memory_space<hbm>> -> memref<1x79x128xi32, #tpu.memory_space<hbm>>
      %dma_wait3A_19 = tpu.memref_squeeze %dma_wait3A_18 : memref<1x79x128xi32, #tpu.memory_space<hbm>> -> memref<79x128xi32, #tpu.memory_space<hbm>>
      %dma_wait3A_20 = arith.constant 0 : i32
      %dma_wait3A_21 = arith.constant 0 : i32
      %dma_wait3A_22 = tpu.memref_slice %arg2[%add3A, %dma_wait3A_20, %dma_wait3A_21] : memref<32x79x128xi32, #tpu.memory_space<hbm>> -> memref<1x79x128xi32, #tpu.memory_space<hbm>>
      %dma_wait3A_23 = tpu.memref_squeeze %dma_wait3A_22 : memref<1x79x128xi32, #tpu.memory_space<hbm>> -> memref<79x128xi32, #tpu.memory_space<hbm>>
      tpu.wait_dma2 semaphore(%run_scoped3A : memref<!tpu.dma_semaphore, #tpu.memory_space<semaphore_mem>>) src(%dma_wait3A_23 : memref<79x128xi32, #tpu.memory_space<hbm>>) dst(%arg4 : memref<79x128xi32, #tpu.memory_space<vmem>>)
      tpu.yield
    }) : () -> ()
    %scan3A = arith.constant 0 : i32
    %scan3A_1 = arith.constant 79 : i32
    %scan3A_2 = arith.addi %scan3A, %scan3A_1 : i32
    %scan3A_3 = arith.constant 1 : i32
    scf.for %scan3A_10 = %scan3A to %scan3A_2 step %scan3A_3  : i32 {
      %broadcast_in_dim3A = arith.constant 0.000000e+00 : f32
      %broadcast_in_dim3A_11 = vector.broadcast %broadcast_in_dim3A : f32 to vector<16xf32>
      %swap3A = arith.index_cast %scan3A_10 : i32 to index
      %swap3A_12 = arith.constant 0 : index
      %swap3A_13 = tpu.vector_load %arg5[%swap3A, %swap3A_12] {strides = array<i32>} : memref<79x128xf32, #tpu.memory_space<vmem>>, vector<16xf32>,
      tpu.vector_store %arg5[%swap3A, %swap3A_12], %broadcast_in_dim3A_11 {strides = array<i32>} : memref<79x128xf32, #tpu.memory_space<vmem>>, vector<16xf32>,
      %broadcast_in_dim3A_14 = arith.constant 0.000000e+00 : f32
      %broadcast_in_dim3A_15 = vector.broadcast %broadcast_in_dim3A_14 : f32 to vector<16xf32>
      %swap3A_16 = arith.index_cast %scan3A_10 : i32 to index
      %swap3A_17 = arith.constant 16 : index
      %swap3A_18 = tpu.vector_load %arg5[%swap3A_16, %swap3A_17] {strides = array<i32>} : memref<79x128xf32, #tpu.memory_space<vmem>>, vector<16xf32>,
      tpu.vector_store %arg5[%swap3A_16, %swap3A_17], %broadcast_in_dim3A_15 {strides = array<i32>} : memref<79x128xf32, #tpu.memory_space<vmem>>, vector<16xf32>,
      %broadcast_in_dim3A_19 = arith.constant 0.000000e+00 : f32
      %broadcast_in_dim3A_20 = vector.broadcast %broadcast_in_dim3A_19 : f32 to vector<16xf32>
      %swap3A_21 = arith.index_cast %scan3A_10 : i32 to index
      %swap3A_22 = arith.constant 32 : index
      %swap3A_23 = tpu.vector_load %arg5[%swap3A_21, %swap3A_22] {strides = array<i32>} : memref<79x128xf32, #tpu.memory_space<vmem>>, vector<16xf32>,
      tpu.vector_store %arg5[%swap3A_21, %swap3A_22], %broadcast_in_dim3A_20 {strides = array<i32>} : memref<79x128xf32, #tpu.memory_space<vmem>>, vector<16xf32>,
      %broadcast_in_dim3A_24 = arith.constant 0.000000e+00 : f32
      %broadcast_in_dim3A_25 = vector.broadcast %broadcast_in_dim3A_24 : f32 to vector<16xf32>
      %swap3A_26 = arith.index_cast %scan3A_10 : i32 to index
      %swap3A_27 = arith.constant 48 : index
      %swap3A_28 = tpu.vector_load %arg5[%swap3A_26, %swap3A_27] {strides = array<i32>} : memref<79x128xf32, #tpu.memory_space<vmem>>, vector<16xf32>,
      tpu.vector_store %arg5[%swap3A_26, %swap3A_27], %broadcast_in_dim3A_25 {strides = array<i32>} : memref<79x128xf32, #tpu.memory_space<vmem>>, vector<16xf32>,
      %broadcast_in_dim3A_29 = arith.constant 0.000000e+00 : f32
      %broadcast_in_dim3A_30 = vector.broadcast %broadcast_in_dim3A_29 : f32 to vector<16xf32>
      %swap3A_31 = arith.index_cast %scan3A_10 : i32 to index
      %swap3A_32 = arith.constant 64 : index
      %swap3A_33 = tpu.vector_load %arg5[%swap3A_31, %swap3A_32] {strides = array<i32>} : memref<79x128xf32, #tpu.memory_space<vmem>>, vector<16xf32>,
      tpu.vector_store %arg5[%swap3A_31, %swap3A_32], %broadcast_in_dim3A_30 {strides = array<i32>} : memref<79x128xf32, #tpu.memory_space<vmem>>, vector<16xf32>,
      %broadcast_in_dim3A_34 = arith.constant 0.000000e+00 : f32
      %broadcast_in_dim3A_35 = vector.broadcast %broadcast_in_dim3A_34 : f32 to vector<16xf32>
      %swap3A_36 = arith.index_cast %scan3A_10 : i32 to index
      %swap3A_37 = arith.constant 80 : index
      %swap3A_38 = tpu.vector_load %arg5[%swap3A_36, %swap3A_37] {strides = array<i32>} : memref<79x128xf32, #tpu.memory_space<vmem>>, vector<16xf32>,
      tpu.vector_store %arg5[%swap3A_36, %swap3A_37], %broadcast_in_dim3A_35 {strides = array<i32>} : memref<79x128xf32, #tpu.memory_space<vmem>>, vector<16xf32>,
      %broadcast_in_dim3A_39 = arith.constant 0.000000e+00 : f32
      %broadcast_in_dim3A_40 = vector.broadcast %broadcast_in_dim3A_39 : f32 to vector<16xf32>
      %swap3A_41 = arith.index_cast %scan3A_10 : i32 to index
      %swap3A_42 = arith.constant 96 : index
      %swap3A_43 = tpu.vector_load %arg5[%swap3A_41, %swap3A_42] {strides = array<i32>} : memref<79x128xf32, #tpu.memory_space<vmem>>, vector<16xf32>,
      tpu.vector_store %arg5[%swap3A_41, %swap3A_42], %broadcast_in_dim3A_40 {strides = array<i32>} : memref<79x128xf32, #tpu.memory_space<vmem>>, vector<16xf32>,
      %broadcast_in_dim3A_44 = arith.constant 0.000000e+00 : f32
      %broadcast_in_dim3A_45 = vector.broadcast %broadcast_in_dim3A_44 : f32 to vector<16xf32>
      %swap3A_46 = arith.index_cast %scan3A_10 : i32 to index
      %swap3A_47 = arith.constant 112 : index
      %swap3A_48 = tpu.vector_load %arg5[%swap3A_46, %swap3A_47] {strides = array<i32>} : memref<79x128xf32, #tpu.memory_space<vmem>>, vector<16xf32>,
      tpu.vector_store %arg5[%swap3A_46, %swap3A_47], %broadcast_in_dim3A_45 {strides = array<i32>} : memref<79x128xf32, #tpu.memory_space<vmem>>, vector<16xf32>,
    }
    %scan3A_4 = arith.constant 79 : i32
    %scan3A_5 = arith.constant 0 : i32
    %scan3A_6 = arith.constant 79 : i32
    %scan3A_7 = arith.addi %scan3A_5, %scan3A_6 : i32
    %scan3A_8 = arith.constant 1 : i32
    scf.for %scan3A_10 = %scan3A_5 to %scan3A_7 step %scan3A_8  : i32 {
      %get3A = arith.index_cast %scan3A_10 : i32 to index
      %get3A_11 = arith.constant 0 : index
      %get3A_12 = tpu.vector_load %arg4[%get3A, %get3A_11] {strides = array<i32>} : memref<79x128xi32, #tpu.memory_space<vmem>>, vector<16xi32>,
      %broadcast_in_dim3A = arith.constant true
      %broadcast_in_dim3A_13 = vector.broadcast %broadcast_in_dim3A : i1 to vector<16xi1>
      %unique3A, %unique3A_14 = tpu.scan_count mask(%broadcast_in_dim3A_13 : vector<16xi1>) value(%get3A_12 : vector<16xi32>) : vector<16xi1>, vector<16xi32>
      %shift_right_arithmetic3A = arith.constant 7 : i32
      %shift_right_arithmetic3A_15 = vector.broadcast %shift_right_arithmetic3A : i32 to vector<16xi32>
      %shift_right_arithmetic3A_16 = arith.shrsi %get3A_12, %shift_right_arithmetic3A_15 : vector<16xi32>
      %and3A = arith.constant 127 : i32
      %and3A_17 = vector.broadcast %and3A : i32 to vector<16xi32>
      %and3A_18 = arith.andi %get3A_12, %and3A_17 : vector<16xi32>
      %convert_element_type3A = arith.sitofp %unique3A_14 : vector<16xi32> to vector<16xf32>
      tpu.vector_store_idx %arg5[%shift_right_arithmetic3A_16, %and3A_18], %convert_element_type3A masked %unique3A {add = true} : memref<79x128xf32, #tpu.memory_space<vmem>>[vector<16xi32>, vector<16xi32>], vector<16xf32>, vector<16xi1>
      %get3A_19 = arith.index_cast %scan3A_10 : i32 to index
      %get3A_20 = arith.constant 16 : index
      %get3A_21 = tpu.vector_load %arg4[%get3A_19, %get3A_20] {strides = array<i32>} : memref<79x128xi32, #tpu.memory_space<vmem>>, vector<16xi32>,
      %broadcast_in_dim3A_22 = arith.constant true
      %broadcast_in_dim3A_23 = vector.broadcast %broadcast_in_dim3A_22 : i1 to vector<16xi1>
      %unique3A_24, %unique3A_25 = tpu.scan_count mask(%broadcast_in_dim3A_23 : vector<16xi1>) value(%get3A_21 : vector<16xi32>) : vector<16xi1>, vector<16xi32>
      %shift_right_arithmetic3A_26 = arith.constant 7 : i32
      %shift_right_arithmetic3A_27 = vector.broadcast %shift_right_arithmetic3A_26 : i32 to vector<16xi32>
      %shift_right_arithmetic3A_28 = arith.shrsi %get3A_21, %shift_right_arithmetic3A_27 : vector<16xi32>
      %and3A_29 = arith.constant 127 : i32
      %and3A_30 = vector.broadcast %and3A_29 : i32 to vector<16xi32>
      %and3A_31 = arith.andi %get3A_21, %and3A_30 : vector<16xi32>
      %convert_element_type3A_32 = arith.sitofp %unique3A_25 : vector<16xi32> to vector<16xf32>
      tpu.vector_store_idx %arg5[%shift_right_arithmetic3A_28, %and3A_31], %convert_element_type3A_32 masked %unique3A_24 {add = true} : memref<79x128xf32, #tpu.memory_space<vmem>>[vector<16xi32>, vector<16xi32>], vector<16xf32>, vector<16xi1>
      %get3A_33 = arith.index_cast %scan3A_10 : i32 to index
      %get3A_34 = arith.constant 32 : index
      %get3A_35 = tpu.vector_load %arg4[%get3A_33, %get3A_34] {strides = array<i32>} : memref<79x128xi32, #tpu.memory_space<vmem>>, vector<16xi32>,
      %broadcast_in_dim3A_36 = arith.constant true
      %broadcast_in_dim3A_37 = vector.broadcast %broadcast_in_dim3A_36 : i1 to vector<16xi1>
      %unique3A_38, %unique3A_39 = tpu.scan_count mask(%broadcast_in_dim3A_37 : vector<16xi1>) value(%get3A_35 : vector<16xi32>) : vector<16xi1>, vector<16xi32>
      %shift_right_arithmetic3A_40 = arith.constant 7 : i32
      %shift_right_arithmetic3A_41 = vector.broadcast %shift_right_arithmetic3A_40 : i32 to vector<16xi32>
      %shift_right_arithmetic3A_42 = arith.shrsi %get3A_35, %shift_right_arithmetic3A_41 : vector<16xi32>
      %and3A_43 = arith.constant 127 : i32
      %and3A_44 = vector.broadcast %and3A_43 : i32 to vector<16xi32>
      %and3A_45 = arith.andi %get3A_35, %and3A_44 : vector<16xi32>
      %convert_element_type3A_46 = arith.sitofp %unique3A_39 : vector<16xi32> to vector<16xf32>
      tpu.vector_store_idx %arg5[%shift_right_arithmetic3A_42, %and3A_45], %convert_element_type3A_46 masked %unique3A_38 {add = true} : memref<79x128xf32, #tpu.memory_space<vmem>>[vector<16xi32>, vector<16xi32>], vector<16xf32>, vector<16xi1>
      %get3A_47 = arith.index_cast %scan3A_10 : i32 to index
      %get3A_48 = arith.constant 48 : index
      %get3A_49 = tpu.vector_load %arg4[%get3A_47, %get3A_48] {strides = array<i32>} : memref<79x128xi32, #tpu.memory_space<vmem>>, vector<16xi32>,
      %broadcast_in_dim3A_50 = arith.constant true
      %broadcast_in_dim3A_51 = vector.broadcast %broadcast_in_dim3A_50 : i1 to vector<16xi1>
      %unique3A_52, %unique3A_53 = tpu.scan_count mask(%broadcast_in_dim3A_51 : vector<16xi1>) value(%get3A_49 : vector<16xi32>) : vector<16xi1>, vector<16xi32>
      %shift_right_arithmetic3A_54 = arith.constant 7 : i32
      %shift_right_arithmetic3A_55 = vector.broadcast %shift_right_arithmetic3A_54 : i32 to vector<16xi32>
      %shift_right_arithmetic3A_56 = arith.shrsi %get3A_49, %shift_right_arithmetic3A_55 : vector<16xi32>
      %and3A_57 = arith.constant 127 : i32
      %and3A_58 = vector.broadcast %and3A_57 : i32 to vector<16xi32>
      %and3A_59 = arith.andi %get3A_49, %and3A_58 : vector<16xi32>
      %convert_element_type3A_60 = arith.sitofp %unique3A_53 : vector<16xi32> to vector<16xf32>
      tpu.vector_store_idx %arg5[%shift_right_arithmetic3A_56, %and3A_59], %convert_element_type3A_60 masked %unique3A_52 {add = true} : memref<79x128xf32, #tpu.memory_space<vmem>>[vector<16xi32>, vector<16xi32>], vector<16xf32>, vector<16xi1>
      %get3A_61 = arith.index_cast %scan3A_10 : i32 to index
      %get3A_62 = arith.constant 64 : index
      %get3A_63 = tpu.vector_load %arg4[%get3A_61, %get3A_62] {strides = array<i32>} : memref<79x128xi32, #tpu.memory_space<vmem>>, vector<16xi32>,
      %broadcast_in_dim3A_64 = arith.constant true
      %broadcast_in_dim3A_65 = vector.broadcast %broadcast_in_dim3A_64 : i1 to vector<16xi1>
      %unique3A_66, %unique3A_67 = tpu.scan_count mask(%broadcast_in_dim3A_65 : vector<16xi1>) value(%get3A_63 : vector<16xi32>) : vector<16xi1>, vector<16xi32>
      %shift_right_arithmetic3A_68 = arith.constant 7 : i32
      %shift_right_arithmetic3A_69 = vector.broadcast %shift_right_arithmetic3A_68 : i32 to vector<16xi32>
      %shift_right_arithmetic3A_70 = arith.shrsi %get3A_63, %shift_right_arithmetic3A_69 : vector<16xi32>
      %and3A_71 = arith.constant 127 : i32
      %and3A_72 = vector.broadcast %and3A_71 : i32 to vector<16xi32>
      %and3A_73 = arith.andi %get3A_63, %and3A_72 : vector<16xi32>
      %convert_element_type3A_74 = arith.sitofp %unique3A_67 : vector<16xi32> to vector<16xf32>
      tpu.vector_store_idx %arg5[%shift_right_arithmetic3A_70, %and3A_73], %convert_element_type3A_74 masked %unique3A_66 {add = true} : memref<79x128xf32, #tpu.memory_space<vmem>>[vector<16xi32>, vector<16xi32>], vector<16xf32>, vector<16xi1>
      %get3A_75 = arith.index_cast %scan3A_10 : i32 to index
      %get3A_76 = arith.constant 80 : index
      %get3A_77 = tpu.vector_load %arg4[%get3A_75, %get3A_76] {strides = array<i32>} : memref<79x128xi32, #tpu.memory_space<vmem>>, vector<16xi32>,
      %broadcast_in_dim3A_78 = arith.constant true
      %broadcast_in_dim3A_79 = vector.broadcast %broadcast_in_dim3A_78 : i1 to vector<16xi1>
      %unique3A_80, %unique3A_81 = tpu.scan_count mask(%broadcast_in_dim3A_79 : vector<16xi1>) value(%get3A_77 : vector<16xi32>) : vector<16xi1>, vector<16xi32>
      %shift_right_arithmetic3A_82 = arith.constant 7 : i32
      %shift_right_arithmetic3A_83 = vector.broadcast %shift_right_arithmetic3A_82 : i32 to vector<16xi32>
      %shift_right_arithmetic3A_84 = arith.shrsi %get3A_77, %shift_right_arithmetic3A_83 : vector<16xi32>
      %and3A_85 = arith.constant 127 : i32
      %and3A_86 = vector.broadcast %and3A_85 : i32 to vector<16xi32>
      %and3A_87 = arith.andi %get3A_77, %and3A_86 : vector<16xi32>
      %convert_element_type3A_88 = arith.sitofp %unique3A_81 : vector<16xi32> to vector<16xf32>
      tpu.vector_store_idx %arg5[%shift_right_arithmetic3A_84, %and3A_87], %convert_element_type3A_88 masked %unique3A_80 {add = true} : memref<79x128xf32, #tpu.memory_space<vmem>>[vector<16xi32>, vector<16xi32>], vector<16xf32>, vector<16xi1>
      %get3A_89 = arith.index_cast %scan3A_10 : i32 to index
      %get3A_90 = arith.constant 96 : index
      %get3A_91 = tpu.vector_load %arg4[%get3A_89, %get3A_90] {strides = array<i32>} : memref<79x128xi32, #tpu.memory_space<vmem>>, vector<16xi32>,
      %broadcast_in_dim3A_92 = arith.constant true
      %broadcast_in_dim3A_93 = vector.broadcast %broadcast_in_dim3A_92 : i1 to vector<16xi1>
      %unique3A_94, %unique3A_95 = tpu.scan_count mask(%broadcast_in_dim3A_93 : vector<16xi1>) value(%get3A_91 : vector<16xi32>) : vector<16xi1>, vector<16xi32>
      %shift_right_arithmetic3A_96 = arith.constant 7 : i32
      %shift_right_arithmetic3A_97 = vector.broadcast %shift_right_arithmetic3A_96 : i32 to vector<16xi32>
      %shift_right_arithmetic3A_98 = arith.shrsi %get3A_91, %shift_right_arithmetic3A_97 : vector<16xi32>
      %and3A_99 = arith.constant 127 : i32
      %and3A_100 = vector.broadcast %and3A_99 : i32 to vector<16xi32>
      %and3A_101 = arith.andi %get3A_91, %and3A_100 : vector<16xi32>
      %convert_element_type3A_102 = arith.sitofp %unique3A_95 : vector<16xi32> to vector<16xf32>
      tpu.vector_store_idx %arg5[%shift_right_arithmetic3A_98, %and3A_101], %convert_element_type3A_102 masked %unique3A_94 {add = true} : memref<79x128xf32, #tpu.memory_space<vmem>>[vector<16xi32>, vector<16xi32>], vector<16xf32>, vector<16xi1>
      %get3A_103 = arith.index_cast %scan3A_10 : i32 to index
      %get3A_104 = arith.constant 112 : index
      %get3A_105 = tpu.vector_load %arg4[%get3A_103, %get3A_104] {strides = array<i32>} : memref<79x128xi32, #tpu.memory_space<vmem>>, vector<16xi32>,
      %broadcast_in_dim3A_106 = arith.constant true
      %broadcast_in_dim3A_107 = vector.broadcast %broadcast_in_dim3A_106 : i1 to vector<16xi1>
      %unique3A_108, %unique3A_109 = tpu.scan_count mask(%broadcast_in_dim3A_107 : vector<16xi1>) value(%get3A_105 : vector<16xi32>) : vector<16xi1>, vector<16xi32>
      %shift_right_arithmetic3A_110 = arith.constant 7 : i32
      %shift_right_arithmetic3A_111 = vector.broadcast %shift_right_arithmetic3A_110 : i32 to vector<16xi32>
      %shift_right_arithmetic3A_112 = arith.shrsi %get3A_105, %shift_right_arithmetic3A_111 : vector<16xi32>
      %and3A_113 = arith.constant 127 : i32
      %and3A_114 = vector.broadcast %and3A_113 : i32 to vector<16xi32>
      %and3A_115 = arith.andi %get3A_105, %and3A_114 : vector<16xi32>
      %convert_element_type3A_116 = arith.sitofp %unique3A_109 : vector<16xi32> to vector<16xf32>
      tpu.vector_store_idx %arg5[%shift_right_arithmetic3A_112, %and3A_115], %convert_element_type3A_116 masked %unique3A_108 {add = true} : memref<79x128xf32, #tpu.memory_space<vmem>>[vector<16xi32>, vector<16xi32>], vector<16xf32>, vector<16xi1>
    }
    %scan3A_9 = arith.constant 79 : i32
    "tpu.region"() ({
      %run_scoped3A = tpu.sem_alloc : memref<!tpu.dma_semaphore, #tpu.memory_space<semaphore_mem>>
      %dma_start3A = arith.constant 0 : i32
      %dma_start3A_10 = arith.constant 0 : i32
      %dma_start3A_11 = tpu.memref_slice %arg3[%add3A, %dma_start3A, %dma_start3A_10] : memref<32x79x128xf32, #tpu.memory_space<hbm>> -> memref<1x79x128xf32, #tpu.memory_space<hbm>>
      %dma_start3A_12 = tpu.memref_squeeze %dma_start3A_11 : memref<1x79x128xf32, #tpu.memory_space<hbm>> -> memref<79x128xf32, #tpu.memory_space<hbm>>
      %dma_start3A_13 = arith.constant 0 : i32
      %dma_start3A_14 = arith.constant 0 : i32
      %dma_start3A_15 = tpu.memref_slice %arg3[%add3A, %dma_start3A_13, %dma_start3A_14] : memref<32x79x128xf32, #tpu.memory_space<hbm>> -> memref<1x79x128xf32, #tpu.memory_space<hbm>>
      %dma_start3A_16 = tpu.memref_squeeze %dma_start3A_15 : memref<1x79x128xf32, #tpu.memory_space<hbm>> -> memref<79x128xf32, #tpu.memory_space<hbm>>
      tpu.enqueue_dma source(%arg5 : memref<79x128xf32, #tpu.memory_space<vmem>>) target(%dma_start3A_16 : memref<79x128xf32, #tpu.memory_space<hbm>>) target_semaphore(%run_scoped3A : memref<!tpu.dma_semaphore, #tpu.memory_space<semaphore_mem>>)
      %dma_wait3A = arith.constant 0 : i32
      %dma_wait3A_17 = arith.constant 0 : i32
      %dma_wait3A_18 = tpu.memref_slice %arg3[%add3A, %dma_wait3A, %dma_wait3A_17] : memref<32x79x128xf32, #tpu.memory_space<hbm>> -> memref<1x79x128xf32, #tpu.memory_space<hbm>>
      %dma_wait3A_19 = tpu.memref_squeeze %dma_wait3A_18 : memref<1x79x128xf32, #tpu.memory_space<hbm>> -> memref<79x128xf32, #tpu.memory_space<hbm>>
      %dma_wait3A_20 = arith.constant 0 : i32
      %dma_wait3A_21 = arith.constant 0 : i32
      %dma_wait3A_22 = tpu.memref_slice %arg3[%add3A, %dma_wait3A_20, %dma_wait3A_21] : memref<32x79x128xf32, #tpu.memory_space<hbm>> -> memref<1x79x128xf32, #tpu.memory_space<hbm>>
      %dma_wait3A_23 = tpu.memref_squeeze %dma_wait3A_22 : memref<1x79x128xf32, #tpu.memory_space<hbm>> -> memref<79x128xf32, #tpu.memory_space<hbm>>
      tpu.wait_dma2 semaphore(%run_scoped3A : memref<!tpu.dma_semaphore, #tpu.memory_space<semaphore_mem>>) src(%arg5 : memref<79x128xf32, #tpu.memory_space<vmem>>) dst(%dma_wait3A_23 : memref<79x128xf32, #tpu.memory_space<hbm>>)
      tpu.yield
    }) : () -> ()
    return
  }
}

#map = affine_map<(d0, d1) -> (0, 0)>
#map1 = affine_map<(d0, d1) -> (0, 0, 0)>
module attributes {stable_mosaic.version = 14 : i64} {
  func.func @scat_kernel(%arg0: i32, %arg1: i32, %arg2: memref<10112x128xf32, #tpu.memory_space<hbm>>, %arg3: memref<32x79x128xi32, #tpu.memory_space<hbm>>, %arg4: memref<32x79x128xi32, #tpu.memory_space<hbm>>, %arg5: memref<2x10112x128xf32, #tpu.memory_space<hbm>>, %arg6: memref<79x128xi32, #tpu.memory_space<vmem>>, %arg7: memref<79x128xi32, #tpu.memory_space<vmem>>, %arg8: memref<128x128xf32, #tpu.memory_space<vmem>>, %arg9: memref<10112x128xf32, #tpu.memory_space<vmem_shared>>, %arg10: memref<!tpu.dma_semaphore, #tpu.memory_space<semaphore_mem>>) attributes {dimension_semantics = [#tpu.dimension_semantics<core_parallel>, #tpu.dimension_semantics<subcore_parallel>], iteration_bounds = array<i64: 2, 16>, scalar_prefetch = 0 : i64, scratch_operands = 5 : i64, tpu.core_type = #tpu.core_type<sc_vector_subcore>, window_params = [{transform_indices = #map}, {transform_indices = #map1}, {transform_indices = #map1}, {transform_indices = #map1}]} {
    %mul3A = arith.constant 16 : i32
    %mul3A_0 = arith.muli %arg0, %mul3A : i32
    %add3A = arith.addi %mul3A_0, %arg1 : i32
    "tpu.region"() ({
      %run_scoped3A = tpu.sem_alloc : memref<!tpu.dma_semaphore, #tpu.memory_space<semaphore_mem>>
      %dma_start3A = arith.constant 0 : i32
      %dma_start3A_27 = arith.constant 0 : i32
      %dma_start3A_28 = tpu.memref_slice %arg3[%add3A, %dma_start3A, %dma_start3A_27] : memref<32x79x128xi32, #tpu.memory_space<hbm>> -> memref<1x79x128xi32, #tpu.memory_space<hbm>>
      %dma_start3A_29 = tpu.memref_squeeze %dma_start3A_28 : memref<1x79x128xi32, #tpu.memory_space<hbm>> -> memref<79x128xi32, #tpu.memory_space<hbm>>
      %dma_start3A_30 = arith.constant 0 : i32
      %dma_start3A_31 = arith.constant 0 : i32
      %dma_start3A_32 = tpu.memref_slice %arg3[%add3A, %dma_start3A_30, %dma_start3A_31] : memref<32x79x128xi32, #tpu.memory_space<hbm>> -> memref<1x79x128xi32, #tpu.memory_space<hbm>>
      %dma_start3A_33 = tpu.memref_squeeze %dma_start3A_32 : memref<1x79x128xi32, #tpu.memory_space<hbm>> -> memref<79x128xi32, #tpu.memory_space<hbm>>
      tpu.enqueue_dma source(%dma_start3A_33 : memref<79x128xi32, #tpu.memory_space<hbm>>) target(%arg6 : memref<79x128xi32, #tpu.memory_space<vmem>>) target_semaphore(%run_scoped3A : memref<!tpu.dma_semaphore, #tpu.memory_space<semaphore_mem>>)
      %dma_wait3A = arith.constant 0 : i32
      %dma_wait3A_34 = arith.constant 0 : i32
      %dma_wait3A_35 = tpu.memref_slice %arg3[%add3A, %dma_wait3A, %dma_wait3A_34] : memref<32x79x128xi32, #tpu.memory_space<hbm>> -> memref<1x79x128xi32, #tpu.memory_space<hbm>>
      %dma_wait3A_36 = tpu.memref_squeeze %dma_wait3A_35 : memref<1x79x128xi32, #tpu.memory_space<hbm>> -> memref<79x128xi32, #tpu.memory_space<hbm>>
      %dma_wait3A_37 = arith.constant 0 : i32
      %dma_wait3A_38 = arith.constant 0 : i32
      %dma_wait3A_39 = tpu.memref_slice %arg3[%add3A, %dma_wait3A_37, %dma_wait3A_38] : memref<32x79x128xi32, #tpu.memory_space<hbm>> -> memref<1x79x128xi32, #tpu.memory_space<hbm>>
      %dma_wait3A_40 = tpu.memref_squeeze %dma_wait3A_39 : memref<1x79x128xi32, #tpu.memory_space<hbm>> -> memref<79x128xi32, #tpu.memory_space<hbm>>
      tpu.wait_dma2 semaphore(%run_scoped3A : memref<!tpu.dma_semaphore, #tpu.memory_space<semaphore_mem>>) src(%dma_wait3A_40 : memref<79x128xi32, #tpu.memory_space<hbm>>) dst(%arg6 : memref<79x128xi32, #tpu.memory_space<vmem>>)
      tpu.yield
    }) : () -> ()
    "tpu.region"() ({
      %run_scoped3A = tpu.sem_alloc : memref<!tpu.dma_semaphore, #tpu.memory_space<semaphore_mem>>
      %dma_start3A = arith.constant 0 : i32
      %dma_start3A_27 = arith.constant 0 : i32
      %dma_start3A_28 = tpu.memref_slice %arg4[%add3A, %dma_start3A, %dma_start3A_27] : memref<32x79x128xi32, #tpu.memory_space<hbm>> -> memref<1x79x128xi32, #tpu.memory_space<hbm>>
      %dma_start3A_29 = tpu.memref_squeeze %dma_start3A_28 : memref<1x79x128xi32, #tpu.memory_space<hbm>> -> memref<79x128xi32, #tpu.memory_space<hbm>>
      %dma_start3A_30 = arith.constant 0 : i32
      %dma_start3A_31 = arith.constant 0 : i32
      %dma_start3A_32 = tpu.memref_slice %arg4[%add3A, %dma_start3A_30, %dma_start3A_31] : memref<32x79x128xi32, #tpu.memory_space<hbm>> -> memref<1x79x128xi32, #tpu.memory_space<hbm>>
      %dma_start3A_33 = tpu.memref_squeeze %dma_start3A_32 : memref<1x79x128xi32, #tpu.memory_space<hbm>> -> memref<79x128xi32, #tpu.memory_space<hbm>>
      tpu.enqueue_dma source(%dma_start3A_33 : memref<79x128xi32, #tpu.memory_space<hbm>>) target(%arg7 : memref<79x128xi32, #tpu.memory_space<vmem>>) target_semaphore(%run_scoped3A : memref<!tpu.dma_semaphore, #tpu.memory_space<semaphore_mem>>)
      %dma_wait3A = arith.constant 0 : i32
      %dma_wait3A_34 = arith.constant 0 : i32
      %dma_wait3A_35 = tpu.memref_slice %arg4[%add3A, %dma_wait3A, %dma_wait3A_34] : memref<32x79x128xi32, #tpu.memory_space<hbm>> -> memref<1x79x128xi32, #tpu.memory_space<hbm>>
      %dma_wait3A_36 = tpu.memref_squeeze %dma_wait3A_35 : memref<1x79x128xi32, #tpu.memory_space<hbm>> -> memref<79x128xi32, #tpu.memory_space<hbm>>
      %dma_wait3A_37 = arith.constant 0 : i32
      %dma_wait3A_38 = arith.constant 0 : i32
      %dma_wait3A_39 = tpu.memref_slice %arg4[%add3A, %dma_wait3A_37, %dma_wait3A_38] : memref<32x79x128xi32, #tpu.memory_space<hbm>> -> memref<1x79x128xi32, #tpu.memory_space<hbm>>
      %dma_wait3A_40 = tpu.memref_squeeze %dma_wait3A_39 : memref<1x79x128xi32, #tpu.memory_space<hbm>> -> memref<79x128xi32, #tpu.memory_space<hbm>>
      tpu.wait_dma2 semaphore(%run_scoped3A : memref<!tpu.dma_semaphore, #tpu.memory_space<semaphore_mem>>) src(%dma_wait3A_40 : memref<79x128xi32, #tpu.memory_space<hbm>>) dst(%arg7 : memref<79x128xi32, #tpu.memory_space<vmem>>)
      tpu.yield
    }) : () -> ()
    %scan3A = arith.constant 0 : i32
    %scan3A_1 = arith.constant 128 : i32
    %scan3A_2 = arith.addi %scan3A, %scan3A_1 : i32
    %scan3A_3 = arith.constant 1 : i32
    scf.for %scan3A_27 = %scan3A to %scan3A_2 step %scan3A_3  : i32 {
      %broadcast_in_dim3A = arith.constant 0.000000e+00 : f32
      %broadcast_in_dim3A_28 = vector.broadcast %broadcast_in_dim3A : f32 to vector<16xf32>
      %swap3A = arith.index_cast %scan3A_27 : i32 to index
      %swap3A_29 = arith.constant 0 : index
      %swap3A_30 = tpu.vector_load %arg8[%swap3A, %swap3A_29] {strides = array<i32>} : memref<128x128xf32, #tpu.memory_space<vmem>>, vector<1x16xf32>,
      %swap3A_31 = vector.shape_cast %swap3A_30 : vector<1x16xf32> to vector<16xf32>
      %swap3A_32 = vector.shape_cast %broadcast_in_dim3A_28 : vector<16xf32> to vector<1x16xf32>
      tpu.vector_store %arg8[%swap3A, %swap3A_29], %swap3A_32 {strides = array<i32>} : memref<128x128xf32, #tpu.memory_space<vmem>>, vector<1x16xf32>,
      %broadcast_in_dim3A_33 = arith.constant 0.000000e+00 : f32
      %broadcast_in_dim3A_34 = vector.broadcast %broadcast_in_dim3A_33 : f32 to vector<16xf32>
      %swap3A_35 = arith.index_cast %scan3A_27 : i32 to index
      %swap3A_36 = arith.constant 16 : index
      %swap3A_37 = tpu.vector_load %arg8[%swap3A_35, %swap3A_36] {strides = array<i32>} : memref<128x128xf32, #tpu.memory_space<vmem>>, vector<1x16xf32>,
      %swap3A_38 = vector.shape_cast %swap3A_37 : vector<1x16xf32> to vector<16xf32>
      %swap3A_39 = vector.shape_cast %broadcast_in_dim3A_34 : vector<16xf32> to vector<1x16xf32>
      tpu.vector_store %arg8[%swap3A_35, %swap3A_36], %swap3A_39 {strides = array<i32>} : memref<128x128xf32, #tpu.memory_space<vmem>>, vector<1x16xf32>,
      %broadcast_in_dim3A_40 = arith.constant 0.000000e+00 : f32
      %broadcast_in_dim3A_41 = vector.broadcast %broadcast_in_dim3A_40 : f32 to vector<16xf32>
      %swap3A_42 = arith.index_cast %scan3A_27 : i32 to index
      %swap3A_43 = arith.constant 32 : index
      %swap3A_44 = tpu.vector_load %arg8[%swap3A_42, %swap3A_43] {strides = array<i32>} : memref<128x128xf32, #tpu.memory_space<vmem>>, vector<1x16xf32>,
      %swap3A_45 = vector.shape_cast %swap3A_44 : vector<1x16xf32> to vector<16xf32>
      %swap3A_46 = vector.shape_cast %broadcast_in_dim3A_41 : vector<16xf32> to vector<1x16xf32>
      tpu.vector_store %arg8[%swap3A_42, %swap3A_43], %swap3A_46 {strides = array<i32>} : memref<128x128xf32, #tpu.memory_space<vmem>>, vector<1x16xf32>,
      %broadcast_in_dim3A_47 = arith.constant 0.000000e+00 : f32
      %broadcast_in_dim3A_48 = vector.broadcast %broadcast_in_dim3A_47 : f32 to vector<16xf32>
      %swap3A_49 = arith.index_cast %scan3A_27 : i32 to index
      %swap3A_50 = arith.constant 48 : index
      %swap3A_51 = tpu.vector_load %arg8[%swap3A_49, %swap3A_50] {strides = array<i32>} : memref<128x128xf32, #tpu.memory_space<vmem>>, vector<1x16xf32>,
      %swap3A_52 = vector.shape_cast %swap3A_51 : vector<1x16xf32> to vector<16xf32>
      %swap3A_53 = vector.shape_cast %broadcast_in_dim3A_48 : vector<16xf32> to vector<1x16xf32>
      tpu.vector_store %arg8[%swap3A_49, %swap3A_50], %swap3A_53 {strides = array<i32>} : memref<128x128xf32, #tpu.memory_space<vmem>>, vector<1x16xf32>,
      %broadcast_in_dim3A_54 = arith.constant 0.000000e+00 : f32
      %broadcast_in_dim3A_55 = vector.broadcast %broadcast_in_dim3A_54 : f32 to vector<16xf32>
      %swap3A_56 = arith.index_cast %scan3A_27 : i32 to index
      %swap3A_57 = arith.constant 64 : index
      %swap3A_58 = tpu.vector_load %arg8[%swap3A_56, %swap3A_57] {strides = array<i32>} : memref<128x128xf32, #tpu.memory_space<vmem>>, vector<1x16xf32>,
      %swap3A_59 = vector.shape_cast %swap3A_58 : vector<1x16xf32> to vector<16xf32>
      %swap3A_60 = vector.shape_cast %broadcast_in_dim3A_55 : vector<16xf32> to vector<1x16xf32>
      tpu.vector_store %arg8[%swap3A_56, %swap3A_57], %swap3A_60 {strides = array<i32>} : memref<128x128xf32, #tpu.memory_space<vmem>>, vector<1x16xf32>,
      %broadcast_in_dim3A_61 = arith.constant 0.000000e+00 : f32
      %broadcast_in_dim3A_62 = vector.broadcast %broadcast_in_dim3A_61 : f32 to vector<16xf32>
      %swap3A_63 = arith.index_cast %scan3A_27 : i32 to index
      %swap3A_64 = arith.constant 80 : index
      %swap3A_65 = tpu.vector_load %arg8[%swap3A_63, %swap3A_64] {strides = array<i32>} : memref<128x128xf32, #tpu.memory_space<vmem>>, vector<1x16xf32>,
      %swap3A_66 = vector.shape_cast %swap3A_65 : vector<1x16xf32> to vector<16xf32>
      %swap3A_67 = vector.shape_cast %broadcast_in_dim3A_62 : vector<16xf32> to vector<1x16xf32>
      tpu.vector_store %arg8[%swap3A_63, %swap3A_64], %swap3A_67 {strides = array<i32>} : memref<128x128xf32, #tpu.memory_space<vmem>>, vector<1x16xf32>,
      %broadcast_in_dim3A_68 = arith.constant 0.000000e+00 : f32
      %broadcast_in_dim3A_69 = vector.broadcast %broadcast_in_dim3A_68 : f32 to vector<16xf32>
      %swap3A_70 = arith.index_cast %scan3A_27 : i32 to index
      %swap3A_71 = arith.constant 96 : index
      %swap3A_72 = tpu.vector_load %arg8[%swap3A_70, %swap3A_71] {strides = array<i32>} : memref<128x128xf32, #tpu.memory_space<vmem>>, vector<1x16xf32>,
      %swap3A_73 = vector.shape_cast %swap3A_72 : vector<1x16xf32> to vector<16xf32>
      %swap3A_74 = vector.shape_cast %broadcast_in_dim3A_69 : vector<16xf32> to vector<1x16xf32>
      tpu.vector_store %arg8[%swap3A_70, %swap3A_71], %swap3A_74 {strides = array<i32>} : memref<128x128xf32, #tpu.memory_space<vmem>>, vector<1x16xf32>,
      %broadcast_in_dim3A_75 = arith.constant 0.000000e+00 : f32
      %broadcast_in_dim3A_76 = vector.broadcast %broadcast_in_dim3A_75 : f32 to vector<16xf32>
      %swap3A_77 = arith.index_cast %scan3A_27 : i32 to index
      %swap3A_78 = arith.constant 112 : index
      %swap3A_79 = tpu.vector_load %arg8[%swap3A_77, %swap3A_78] {strides = array<i32>} : memref<128x128xf32, #tpu.memory_space<vmem>>, vector<1x16xf32>,
      %swap3A_80 = vector.shape_cast %swap3A_79 : vector<1x16xf32> to vector<16xf32>
      %swap3A_81 = vector.shape_cast %broadcast_in_dim3A_76 : vector<16xf32> to vector<1x16xf32>
      tpu.vector_store %arg8[%swap3A_77, %swap3A_78], %swap3A_81 {strides = array<i32>} : memref<128x128xf32, #tpu.memory_space<vmem>>, vector<1x16xf32>,
    }
    %scan3A_4 = arith.constant 128 : i32
    %mul3A_5 = arith.constant 632 : i32
    %mul3A_6 = arith.muli %arg1, %mul3A_5 : i32
    %add3A_7 = arith.constant 0 : i32
    %add3A_8 = arith.addi %mul3A_6, %add3A_7 : i32
    "tpu.region"() ({
      %run_scoped3A = tpu.sem_alloc : memref<!tpu.dma_semaphore, #tpu.memory_space<semaphore_mem>>
      %dma_start3A = arith.constant 0 : i32
      %dma_start3A_27 = tpu.memref_slice %arg9[%add3A_8, %dma_start3A] : memref<10112x128xf32, #tpu.memory_space<vmem_shared>> -> memref<128x128xf32, #tpu.memory_space<vmem_shared>>
      %dma_start3A_28 = arith.constant 0 : i32
      %dma_start3A_29 = tpu.memref_slice %arg9[%add3A_8, %dma_start3A_28] : memref<10112x128xf32, #tpu.memory_space<vmem_shared>> -> memref<128x128xf32, #tpu.memory_space<vmem_shared>>
      tpu.enqueue_dma source(%arg8 : memref<128x128xf32, #tpu.memory_space<vmem>>) target(%dma_start3A_29 : memref<128x128xf32, #tpu.memory_space<vmem_shared>>) target_semaphore(%run_scoped3A : memref<!tpu.dma_semaphore, #tpu.memory_space<semaphore_mem>>)
      %dma_wait3A = arith.constant 0 : i32
      %dma_wait3A_30 = tpu.memref_slice %arg9[%add3A_8, %dma_wait3A] : memref<10112x128xf32, #tpu.memory_space<vmem_shared>> -> memref<128x128xf32, #tpu.memory_space<vmem_shared>>
      %dma_wait3A_31 = arith.constant 0 : i32
      %dma_wait3A_32 = tpu.memref_slice %arg9[%add3A_8, %dma_wait3A_31] : memref<10112x128xf32, #tpu.memory_space<vmem_shared>> -> memref<128x128xf32, #tpu.memory_space<vmem_shared>>
      tpu.wait_dma2 semaphore(%run_scoped3A : memref<!tpu.dma_semaphore, #tpu.memory_space<semaphore_mem>>) src(%arg8 : memref<128x128xf32, #tpu.memory_space<vmem>>) dst(%dma_wait3A_32 : memref<128x128xf32, #tpu.memory_space<vmem_shared>>)
      tpu.yield
    }) : () -> ()
    %add3A_9 = arith.constant 128 : i32
    %add3A_10 = arith.addi %mul3A_6, %add3A_9 : i32
    "tpu.region"() ({
      %run_scoped3A = tpu.sem_alloc : memref<!tpu.dma_semaphore, #tpu.memory_space<semaphore_mem>>
      %dma_start3A = arith.constant 0 : i32
      %dma_start3A_27 = tpu.memref_slice %arg9[%add3A_10, %dma_start3A] : memref<10112x128xf32, #tpu.memory_space<vmem_shared>> -> memref<128x128xf32, #tpu.memory_space<vmem_shared>>
      %dma_start3A_28 = arith.constant 0 : i32
      %dma_start3A_29 = tpu.memref_slice %arg9[%add3A_10, %dma_start3A_28] : memref<10112x128xf32, #tpu.memory_space<vmem_shared>> -> memref<128x128xf32, #tpu.memory_space<vmem_shared>>
      tpu.enqueue_dma source(%arg8 : memref<128x128xf32, #tpu.memory_space<vmem>>) target(%dma_start3A_29 : memref<128x128xf32, #tpu.memory_space<vmem_shared>>) target_semaphore(%run_scoped3A : memref<!tpu.dma_semaphore, #tpu.memory_space<semaphore_mem>>)
      %dma_wait3A = arith.constant 0 : i32
      %dma_wait3A_30 = tpu.memref_slice %arg9[%add3A_10, %dma_wait3A] : memref<10112x128xf32, #tpu.memory_space<vmem_shared>> -> memref<128x128xf32, #tpu.memory_space<vmem_shared>>
      %dma_wait3A_31 = arith.constant 0 : i32
      %dma_wait3A_32 = tpu.memref_slice %arg9[%add3A_10, %dma_wait3A_31] : memref<10112x128xf32, #tpu.memory_space<vmem_shared>> -> memref<128x128xf32, #tpu.memory_space<vmem_shared>>
      tpu.wait_dma2 semaphore(%run_scoped3A : memref<!tpu.dma_semaphore, #tpu.memory_space<semaphore_mem>>) src(%arg8 : memref<128x128xf32, #tpu.memory_space<vmem>>) dst(%dma_wait3A_32 : memref<128x128xf32, #tpu.memory_space<vmem_shared>>)
      tpu.yield
    }) : () -> ()
    %add3A_11 = arith.constant 256 : i32
    %add3A_12 = arith.addi %mul3A_6, %add3A_11 : i32
    "tpu.region"() ({
      %run_scoped3A = tpu.sem_alloc : memref<!tpu.dma_semaphore, #tpu.memory_space<semaphore_mem>>
      %dma_start3A = arith.constant 0 : i32
      %dma_start3A_27 = tpu.memref_slice %arg9[%add3A_12, %dma_start3A] : memref<10112x128xf32, #tpu.memory_space<vmem_shared>> -> memref<128x128xf32, #tpu.memory_space<vmem_shared>>
      %dma_start3A_28 = arith.constant 0 : i32
      %dma_start3A_29 = tpu.memref_slice %arg9[%add3A_12, %dma_start3A_28] : memref<10112x128xf32, #tpu.memory_space<vmem_shared>> -> memref<128x128xf32, #tpu.memory_space<vmem_shared>>
      tpu.enqueue_dma source(%arg8 : memref<128x128xf32, #tpu.memory_space<vmem>>) target(%dma_start3A_29 : memref<128x128xf32, #tpu.memory_space<vmem_shared>>) target_semaphore(%run_scoped3A : memref<!tpu.dma_semaphore, #tpu.memory_space<semaphore_mem>>)
      %dma_wait3A = arith.constant 0 : i32
      %dma_wait3A_30 = tpu.memref_slice %arg9[%add3A_12, %dma_wait3A] : memref<10112x128xf32, #tpu.memory_space<vmem_shared>> -> memref<128x128xf32, #tpu.memory_space<vmem_shared>>
      %dma_wait3A_31 = arith.constant 0 : i32
      %dma_wait3A_32 = tpu.memref_slice %arg9[%add3A_12, %dma_wait3A_31] : memref<10112x128xf32, #tpu.memory_space<vmem_shared>> -> memref<128x128xf32, #tpu.memory_space<vmem_shared>>
      tpu.wait_dma2 semaphore(%run_scoped3A : memref<!tpu.dma_semaphore, #tpu.memory_space<semaphore_mem>>) src(%arg8 : memref<128x128xf32, #tpu.memory_space<vmem>>) dst(%dma_wait3A_32 : memref<128x128xf32, #tpu.memory_space<vmem_shared>>)
      tpu.yield
    }) : () -> ()
    %add3A_13 = arith.constant 384 : i32
    %add3A_14 = arith.addi %mul3A_6, %add3A_13 : i32
    "tpu.region"() ({
      %run_scoped3A = tpu.sem_alloc : memref<!tpu.dma_semaphore, #tpu.memory_space<semaphore_mem>>
      %dma_start3A = arith.constant 0 : i32
      %dma_start3A_27 = tpu.memref_slice %arg9[%add3A_14, %dma_start3A] : memref<10112x128xf32, #tpu.memory_space<vmem_shared>> -> memref<128x128xf32, #tpu.memory_space<vmem_shared>>
      %dma_start3A_28 = arith.constant 0 : i32
      %dma_start3A_29 = tpu.memref_slice %arg9[%add3A_14, %dma_start3A_28] : memref<10112x128xf32, #tpu.memory_space<vmem_shared>> -> memref<128x128xf32, #tpu.memory_space<vmem_shared>>
      tpu.enqueue_dma source(%arg8 : memref<128x128xf32, #tpu.memory_space<vmem>>) target(%dma_start3A_29 : memref<128x128xf32, #tpu.memory_space<vmem_shared>>) target_semaphore(%run_scoped3A : memref<!tpu.dma_semaphore, #tpu.memory_space<semaphore_mem>>)
      %dma_wait3A = arith.constant 0 : i32
      %dma_wait3A_30 = tpu.memref_slice %arg9[%add3A_14, %dma_wait3A] : memref<10112x128xf32, #tpu.memory_space<vmem_shared>> -> memref<128x128xf32, #tpu.memory_space<vmem_shared>>
      %dma_wait3A_31 = arith.constant 0 : i32
      %dma_wait3A_32 = tpu.memref_slice %arg9[%add3A_14, %dma_wait3A_31] : memref<10112x128xf32, #tpu.memory_space<vmem_shared>> -> memref<128x128xf32, #tpu.memory_space<vmem_shared>>
      tpu.wait_dma2 semaphore(%run_scoped3A : memref<!tpu.dma_semaphore, #tpu.memory_space<semaphore_mem>>) src(%arg8 : memref<128x128xf32, #tpu.memory_space<vmem>>) dst(%dma_wait3A_32 : memref<128x128xf32, #tpu.memory_space<vmem_shared>>)
      tpu.yield
    }) : () -> ()
    %add3A_15 = arith.constant 512 : i32
    %add3A_16 = arith.addi %mul3A_6, %add3A_15 : i32
    "tpu.region"() ({
      %run_scoped3A = tpu.sem_alloc : memref<!tpu.dma_semaphore, #tpu.memory_space<semaphore_mem>>
      %dma_start3A = arith.constant 0 : i32
      %dma_start3A_27 = arith.constant 0 : i32
      %dma_start3A_28 = tpu.memref_slice %arg8[%dma_start3A, %dma_start3A_27] : memref<128x128xf32, #tpu.memory_space<vmem>> -> memref<120x128xf32, #tpu.memory_space<vmem>>
      %dma_start3A_29 = arith.constant 0 : i32
      %dma_start3A_30 = tpu.memref_slice %arg9[%add3A_16, %dma_start3A_29] : memref<10112x128xf32, #tpu.memory_space<vmem_shared>> -> memref<120x128xf32, #tpu.memory_space<vmem_shared>>
      %dma_start3A_31 = arith.constant 0 : i32
      %dma_start3A_32 = tpu.memref_slice %arg9[%add3A_16, %dma_start3A_31] : memref<10112x128xf32, #tpu.memory_space<vmem_shared>> -> memref<120x128xf32, #tpu.memory_space<vmem_shared>>
      %dma_start3A_33 = arith.constant 0 : i32
      %dma_start3A_34 = arith.constant 0 : i32
      %dma_start3A_35 = tpu.memref_slice %arg8[%dma_start3A_33, %dma_start3A_34] : memref<128x128xf32, #tpu.memory_space<vmem>> -> memref<120x128xf32, #tpu.memory_space<vmem>>
      tpu.enqueue_dma source(%dma_start3A_35 : memref<120x128xf32, #tpu.memory_space<vmem>>) target(%dma_start3A_32 : memref<120x128xf32, #tpu.memory_space<vmem_shared>>) target_semaphore(%run_scoped3A : memref<!tpu.dma_semaphore, #tpu.memory_space<semaphore_mem>>)
      %dma_wait3A = arith.constant 0 : i32
      %dma_wait3A_36 = arith.constant 0 : i32
      %dma_wait3A_37 = tpu.memref_slice %arg8[%dma_wait3A, %dma_wait3A_36] : memref<128x128xf32, #tpu.memory_space<vmem>> -> memref<120x128xf32, #tpu.memory_space<vmem>>
      %dma_wait3A_38 = arith.constant 0 : i32
      %dma_wait3A_39 = tpu.memref_slice %arg9[%add3A_16, %dma_wait3A_38] : memref<10112x128xf32, #tpu.memory_space<vmem_shared>> -> memref<120x128xf32, #tpu.memory_space<vmem_shared>>
      %dma_wait3A_40 = arith.constant 0 : i32
      %dma_wait3A_41 = tpu.memref_slice %arg9[%add3A_16, %dma_wait3A_40] : memref<10112x128xf32, #tpu.memory_space<vmem_shared>> -> memref<120x128xf32, #tpu.memory_space<vmem_shared>>
      %dma_wait3A_42 = arith.constant 0 : i32
      %dma_wait3A_43 = arith.constant 0 : i32
      %dma_wait3A_44 = tpu.memref_slice %arg8[%dma_wait3A_42, %dma_wait3A_43] : memref<128x128xf32, #tpu.memory_space<vmem>> -> memref<120x128xf32, #tpu.memory_space<vmem>>
      tpu.wait_dma2 semaphore(%run_scoped3A : memref<!tpu.dma_semaphore, #tpu.memory_space<semaphore_mem>>) src(%dma_wait3A_44 : memref<120x128xf32, #tpu.memory_space<vmem>>) dst(%dma_wait3A_41 : memref<120x128xf32, #tpu.memory_space<vmem_shared>>)
      tpu.yield
    }) : () -> ()
    %barrier3A = arith.constant 0 : index
    tpu.barrier barrier_id(%barrier3A)
    %scan3A_17 = arith.constant 0 : i32
    %scan3A_18 = arith.constant 79 : i32
    %scan3A_19 = arith.addi %scan3A_17, %scan3A_18 : i32
    %scan3A_20 = arith.constant 1 : i32
    scf.for %scan3A_27 = %scan3A_17 to %scan3A_19 step %scan3A_20  : i32 {
      %dma_start3A = arith.constant 0 : i32
      %dma_start3A_28 = tpu.memref_slice %arg6[%scan3A_27, %dma_start3A] : memref<79x128xi32, #tpu.memory_space<vmem>> -> memref<1x128xi32, #tpu.memory_space<vmem>>
      %dma_start3A_29 = tpu.memref_squeeze %dma_start3A_28 : memref<1x128xi32, #tpu.memory_space<vmem>> -> memref<128xi32, #tpu.memory_space<vmem>>
      %dma_start3A_30 = arith.constant 0 : i32
      %dma_start3A_31 = arith.constant 0 : i32
      %dma_start3A_32 = tpu.memref_slice %arg2[%dma_start3A_30, %dma_start3A_31] : memref<10112x128xf32, #tpu.memory_space<hbm>> -> memref<10112x128xf32, #tpu.memory_space<hbm>>
      tpu.enqueue_indirect_dma source(%dma_start3A_32 : memref<10112x128xf32, #tpu.memory_space<hbm>>) target(%arg8 : memref<128x128xf32, #tpu.memory_space<vmem>>) offsets(%dma_start3A_29 : memref<128xi32, #tpu.memory_space<vmem>>) semaphore(%arg10 : memref<!tpu.dma_semaphore, #tpu.memory_space<semaphore_mem>>)
      %dma_wait3A = arith.constant 0 : i32
      %dma_wait3A_33 = tpu.memref_slice %arg6[%scan3A_27, %dma_wait3A] : memref<79x128xi32, #tpu.memory_space<vmem>> -> memref<1x128xi32, #tpu.memory_space<vmem>>
      %dma_wait3A_34 = tpu.memref_squeeze %dma_wait3A_33 : memref<1x128xi32, #tpu.memory_space<vmem>> -> memref<128xi32, #tpu.memory_space<vmem>>
      %dma_wait3A_35 = arith.constant 0 : i32
      %dma_wait3A_36 = arith.constant 0 : i32
      %dma_wait3A_37 = tpu.memref_slice %arg2[%dma_wait3A_35, %dma_wait3A_36] : memref<10112x128xf32, #tpu.memory_space<hbm>> -> memref<10112x128xf32, #tpu.memory_space<hbm>>
      tpu.wait_indirect_dma semaphore(%arg10 : memref<!tpu.dma_semaphore, #tpu.memory_space<semaphore_mem>>) src(%dma_wait3A_37 : memref<10112x128xf32, #tpu.memory_space<hbm>>) dst(%arg8 : memref<128x128xf32, #tpu.memory_space<vmem>>)
      "tpu.region"() ({
        %run_scoped3A = tpu.sem_alloc : memref<!tpu.dma_semaphore, #tpu.memory_space<semaphore_mem>>
        %dma_start3A_38 = arith.constant 0 : i32
        %dma_start3A_39 = tpu.memref_slice %arg7[%scan3A_27, %dma_start3A_38] : memref<79x128xi32, #tpu.memory_space<vmem>> -> memref<1x128xi32, #tpu.memory_space<vmem>>
        %dma_start3A_40 = tpu.memref_squeeze %dma_start3A_39 : memref<1x128xi32, #tpu.memory_space<vmem>> -> memref<128xi32, #tpu.memory_space<vmem>>
        %dma_start3A_41 = arith.constant 0 : i32
        %dma_start3A_42 = arith.constant 0 : i32
        %dma_start3A_43 = tpu.memref_slice %arg9[%dma_start3A_41, %dma_start3A_42] : memref<10112x128xf32, #tpu.memory_space<vmem_shared>> -> memref<10112x128xf32, #tpu.memory_space<vmem_shared>>
        tpu.enqueue_indirect_dma source(%arg8 : memref<128x128xf32, #tpu.memory_space<vmem>>) target(%dma_start3A_43 : memref<10112x128xf32, #tpu.memory_space<vmem_shared>>) offsets(%dma_start3A_40 : memref<128xi32, #tpu.memory_space<vmem>>) semaphore(%run_scoped3A : memref<!tpu.dma_semaphore, #tpu.memory_space<semaphore_mem>>) {add = true}
        %dma_wait3A_44 = arith.constant 0 : i32
        %dma_wait3A_45 = tpu.memref_slice %arg7[%scan3A_27, %dma_wait3A_44] : memref<79x128xi32, #tpu.memory_space<vmem>> -> memref<1x128xi32, #tpu.memory_space<vmem>>
        %dma_wait3A_46 = tpu.memref_squeeze %dma_wait3A_45 : memref<1x128xi32, #tpu.memory_space<vmem>> -> memref<128xi32, #tpu.memory_space<vmem>>
        %dma_wait3A_47 = arith.constant 0 : i32
        %dma_wait3A_48 = arith.constant 0 : i32
        %dma_wait3A_49 = tpu.memref_slice %arg9[%dma_wait3A_47, %dma_wait3A_48] : memref<10112x128xf32, #tpu.memory_space<vmem_shared>> -> memref<10112x128xf32, #tpu.memory_space<vmem_shared>>
        tpu.wait_indirect_dma semaphore(%run_scoped3A : memref<!tpu.dma_semaphore, #tpu.memory_space<semaphore_mem>>) src(%arg8 : memref<128x128xf32, #tpu.memory_space<vmem>>) dst(%dma_wait3A_49 : memref<10112x128xf32, #tpu.memory_space<vmem_shared>>)
        tpu.yield
      }) : () -> ()
    }
    %scan3A_21 = arith.constant 79 : i32
    %barrier3A_22 = arith.constant 0 : index
    tpu.barrier barrier_id(%barrier3A_22)
    %mul3A_23 = arith.constant 632 : i32
    %mul3A_24 = arith.muli %arg1, %mul3A_23 : i32
    %mul3A_25 = arith.constant 632 : i32
    %mul3A_26 = arith.muli %arg1, %mul3A_25 : i32
    "tpu.region"() ({
      %run_scoped3A = tpu.sem_alloc : memref<!tpu.dma_semaphore, #tpu.memory_space<semaphore_mem>>
      %dma_start3A = arith.constant 0 : i32
      %dma_start3A_27 = tpu.memref_slice %arg5[%arg0, %mul3A_26, %dma_start3A] : memref<2x10112x128xf32, #tpu.memory_space<hbm>> -> memref<1x632x128xf32, #tpu.memory_space<hbm>>
      %dma_start3A_28 = tpu.memref_squeeze %dma_start3A_27 : memref<1x632x128xf32, #tpu.memory_space<hbm>> -> memref<632x128xf32, #tpu.memory_space<hbm>>
      %dma_start3A_29 = arith.constant 0 : i32
      %dma_start3A_30 = tpu.memref_slice %arg9[%mul3A_24, %dma_start3A_29] : memref<10112x128xf32, #tpu.memory_space<vmem_shared>> -> memref<632x128xf32, #tpu.memory_space<vmem_shared>>
      tpu.enqueue_dma source(%dma_start3A_30 : memref<632x128xf32, #tpu.memory_space<vmem_shared>>) target(%dma_start3A_28 : memref<632x128xf32, #tpu.memory_space<hbm>>) target_semaphore(%run_scoped3A : memref<!tpu.dma_semaphore, #tpu.memory_space<semaphore_mem>>)
      %dma_wait3A = arith.constant 0 : i32
      %dma_wait3A_31 = tpu.memref_slice %arg5[%arg0, %mul3A_26, %dma_wait3A] : memref<2x10112x128xf32, #tpu.memory_space<hbm>> -> memref<1x632x128xf32, #tpu.memory_space<hbm>>
      %dma_wait3A_32 = tpu.memref_squeeze %dma_wait3A_31 : memref<1x632x128xf32, #tpu.memory_space<hbm>> -> memref<632x128xf32, #tpu.memory_space<hbm>>
      %dma_wait3A_33 = arith.constant 0 : i32
      %dma_wait3A_34 = tpu.memref_slice %arg9[%mul3A_24, %dma_wait3A_33] : memref<10112x128xf32, #tpu.memory_space<vmem_shared>> -> memref<632x128xf32, #tpu.memory_space<vmem_shared>>
      tpu.wait_dma2 semaphore(%run_scoped3A : memref<!tpu.dma_semaphore, #tpu.memory_space<semaphore_mem>>) src(%dma_wait3A_34 : memref<632x128xf32, #tpu.memory_space<vmem_shared>>) dst(%dma_wait3A_32 : memref<632x128xf32, #tpu.memory_space<hbm>>)
      tpu.yield
    }) : () -> ()
    return
  }
}

#map = affine_map<(d0, d1) -> (0, 0)>
#map1 = affine_map<(d0, d1) -> (0, 0, 0)>
module attributes {stable_mosaic.version = 14 : i64} {
  func.func @scat_kernel(%arg0: i32, %arg1: i32, %arg2: memref<10112x128xf32, #tpu.memory_space<hbm>>, %arg3: memref<32x79x128xi32, #tpu.memory_space<hbm>>, %arg4: memref<32x79x128xi32, #tpu.memory_space<hbm>>, %arg5: memref<2x10112x128xf32, #tpu.memory_space<hbm>>, %arg6: memref<79x128xi32, #tpu.memory_space<vmem>>, %arg7: memref<79x128xi32, #tpu.memory_space<vmem>>, %arg8: memref<128x128xf32, #tpu.memory_space<vmem>>, %arg9: memref<10112x128xf32, #tpu.memory_space<vmem_shared>>, %arg10: memref<!tpu.dma_semaphore, #tpu.memory_space<semaphore_mem>>) attributes {dimension_semantics = [#tpu.dimension_semantics<core_parallel>, #tpu.dimension_semantics<subcore_parallel>], iteration_bounds = array<i64: 2, 16>, scalar_prefetch = 0 : i64, scratch_operands = 5 : i64, tpu.core_type = #tpu.core_type<sc_vector_subcore>, window_params = [{transform_indices = #map}, {transform_indices = #map1}, {transform_indices = #map1}, {transform_indices = #map1}]} {
    %mul3A = arith.constant 16 : i32
    %mul3A_0 = arith.muli %arg0, %mul3A : i32
    %add3A = arith.addi %mul3A_0, %arg1 : i32
    "tpu.region"() ({
      %run_scoped3A = tpu.sem_alloc : memref<!tpu.dma_semaphore, #tpu.memory_space<semaphore_mem>>
      %dma_start3A = arith.constant 0 : i32
      %dma_start3A_27 = arith.constant 0 : i32
      %dma_start3A_28 = tpu.memref_slice %arg3[%add3A, %dma_start3A, %dma_start3A_27] : memref<32x79x128xi32, #tpu.memory_space<hbm>> -> memref<1x79x128xi32, #tpu.memory_space<hbm>>
      %dma_start3A_29 = tpu.memref_squeeze %dma_start3A_28 : memref<1x79x128xi32, #tpu.memory_space<hbm>> -> memref<79x128xi32, #tpu.memory_space<hbm>>
      %dma_start3A_30 = arith.constant 0 : i32
      %dma_start3A_31 = arith.constant 0 : i32
      %dma_start3A_32 = tpu.memref_slice %arg3[%add3A, %dma_start3A_30, %dma_start3A_31] : memref<32x79x128xi32, #tpu.memory_space<hbm>> -> memref<1x79x128xi32, #tpu.memory_space<hbm>>
      %dma_start3A_33 = tpu.memref_squeeze %dma_start3A_32 : memref<1x79x128xi32, #tpu.memory_space<hbm>> -> memref<79x128xi32, #tpu.memory_space<hbm>>
      tpu.enqueue_dma source(%dma_start3A_33 : memref<79x128xi32, #tpu.memory_space<hbm>>) target(%arg6 : memref<79x128xi32, #tpu.memory_space<vmem>>) target_semaphore(%run_scoped3A : memref<!tpu.dma_semaphore, #tpu.memory_space<semaphore_mem>>)
      %dma_wait3A = arith.constant 0 : i32
      %dma_wait3A_34 = arith.constant 0 : i32
      %dma_wait3A_35 = tpu.memref_slice %arg3[%add3A, %dma_wait3A, %dma_wait3A_34] : memref<32x79x128xi32, #tpu.memory_space<hbm>> -> memref<1x79x128xi32, #tpu.memory_space<hbm>>
      %dma_wait3A_36 = tpu.memref_squeeze %dma_wait3A_35 : memref<1x79x128xi32, #tpu.memory_space<hbm>> -> memref<79x128xi32, #tpu.memory_space<hbm>>
      %dma_wait3A_37 = arith.constant 0 : i32
      %dma_wait3A_38 = arith.constant 0 : i32
      %dma_wait3A_39 = tpu.memref_slice %arg3[%add3A, %dma_wait3A_37, %dma_wait3A_38] : memref<32x79x128xi32, #tpu.memory_space<hbm>> -> memref<1x79x128xi32, #tpu.memory_space<hbm>>
      %dma_wait3A_40 = tpu.memref_squeeze %dma_wait3A_39 : memref<1x79x128xi32, #tpu.memory_space<hbm>> -> memref<79x128xi32, #tpu.memory_space<hbm>>
      tpu.wait_dma2 semaphore(%run_scoped3A : memref<!tpu.dma_semaphore, #tpu.memory_space<semaphore_mem>>) src(%dma_wait3A_40 : memref<79x128xi32, #tpu.memory_space<hbm>>) dst(%arg6 : memref<79x128xi32, #tpu.memory_space<vmem>>)
      tpu.yield
    }) : () -> ()
    "tpu.region"() ({
      %run_scoped3A = tpu.sem_alloc : memref<!tpu.dma_semaphore, #tpu.memory_space<semaphore_mem>>
      %dma_start3A = arith.constant 0 : i32
      %dma_start3A_27 = arith.constant 0 : i32
      %dma_start3A_28 = tpu.memref_slice %arg4[%add3A, %dma_start3A, %dma_start3A_27] : memref<32x79x128xi32, #tpu.memory_space<hbm>> -> memref<1x79x128xi32, #tpu.memory_space<hbm>>
      %dma_start3A_29 = tpu.memref_squeeze %dma_start3A_28 : memref<1x79x128xi32, #tpu.memory_space<hbm>> -> memref<79x128xi32, #tpu.memory_space<hbm>>
      %dma_start3A_30 = arith.constant 0 : i32
      %dma_start3A_31 = arith.constant 0 : i32
      %dma_start3A_32 = tpu.memref_slice %arg4[%add3A, %dma_start3A_30, %dma_start3A_31] : memref<32x79x128xi32, #tpu.memory_space<hbm>> -> memref<1x79x128xi32, #tpu.memory_space<hbm>>
      %dma_start3A_33 = tpu.memref_squeeze %dma_start3A_32 : memref<1x79x128xi32, #tpu.memory_space<hbm>> -> memref<79x128xi32, #tpu.memory_space<hbm>>
      tpu.enqueue_dma source(%dma_start3A_33 : memref<79x128xi32, #tpu.memory_space<hbm>>) target(%arg7 : memref<79x128xi32, #tpu.memory_space<vmem>>) target_semaphore(%run_scoped3A : memref<!tpu.dma_semaphore, #tpu.memory_space<semaphore_mem>>)
      %dma_wait3A = arith.constant 0 : i32
      %dma_wait3A_34 = arith.constant 0 : i32
      %dma_wait3A_35 = tpu.memref_slice %arg4[%add3A, %dma_wait3A, %dma_wait3A_34] : memref<32x79x128xi32, #tpu.memory_space<hbm>> -> memref<1x79x128xi32, #tpu.memory_space<hbm>>
      %dma_wait3A_36 = tpu.memref_squeeze %dma_wait3A_35 : memref<1x79x128xi32, #tpu.memory_space<hbm>> -> memref<79x128xi32, #tpu.memory_space<hbm>>
      %dma_wait3A_37 = arith.constant 0 : i32
      %dma_wait3A_38 = arith.constant 0 : i32
      %dma_wait3A_39 = tpu.memref_slice %arg4[%add3A, %dma_wait3A_37, %dma_wait3A_38] : memref<32x79x128xi32, #tpu.memory_space<hbm>> -> memref<1x79x128xi32, #tpu.memory_space<hbm>>
      %dma_wait3A_40 = tpu.memref_squeeze %dma_wait3A_39 : memref<1x79x128xi32, #tpu.memory_space<hbm>> -> memref<79x128xi32, #tpu.memory_space<hbm>>
      tpu.wait_dma2 semaphore(%run_scoped3A : memref<!tpu.dma_semaphore, #tpu.memory_space<semaphore_mem>>) src(%dma_wait3A_40 : memref<79x128xi32, #tpu.memory_space<hbm>>) dst(%arg7 : memref<79x128xi32, #tpu.memory_space<vmem>>)
      tpu.yield
    }) : () -> ()
    %scan3A = arith.constant 0 : i32
    %scan3A_1 = arith.constant 128 : i32
    %scan3A_2 = arith.addi %scan3A, %scan3A_1 : i32
    %scan3A_3 = arith.constant 1 : i32
    scf.for %scan3A_27 = %scan3A to %scan3A_2 step %scan3A_3  : i32 {
      %broadcast_in_dim3A = arith.constant 0.000000e+00 : f32
      %broadcast_in_dim3A_28 = vector.broadcast %broadcast_in_dim3A : f32 to vector<16xf32>
      %swap3A = arith.index_cast %scan3A_27 : i32 to index
      %swap3A_29 = arith.constant 0 : index
      %swap3A_30 = tpu.vector_load %arg8[%swap3A, %swap3A_29] {strides = array<i32>} : memref<128x128xf32, #tpu.memory_space<vmem>>, vector<1x16xf32>,
      %swap3A_31 = vector.shape_cast %swap3A_30 : vector<1x16xf32> to vector<16xf32>
      %swap3A_32 = vector.shape_cast %broadcast_in_dim3A_28 : vector<16xf32> to vector<1x16xf32>
      tpu.vector_store %arg8[%swap3A, %swap3A_29], %swap3A_32 {strides = array<i32>} : memref<128x128xf32, #tpu.memory_space<vmem>>, vector<1x16xf32>,
      %broadcast_in_dim3A_33 = arith.constant 0.000000e+00 : f32
      %broadcast_in_dim3A_34 = vector.broadcast %broadcast_in_dim3A_33 : f32 to vector<16xf32>
      %swap3A_35 = arith.index_cast %scan3A_27 : i32 to index
      %swap3A_36 = arith.constant 16 : index
      %swap3A_37 = tpu.vector_load %arg8[%swap3A_35, %swap3A_36] {strides = array<i32>} : memref<128x128xf32, #tpu.memory_space<vmem>>, vector<1x16xf32>,
      %swap3A_38 = vector.shape_cast %swap3A_37 : vector<1x16xf32> to vector<16xf32>
      %swap3A_39 = vector.shape_cast %broadcast_in_dim3A_34 : vector<16xf32> to vector<1x16xf32>
      tpu.vector_store %arg8[%swap3A_35, %swap3A_36], %swap3A_39 {strides = array<i32>} : memref<128x128xf32, #tpu.memory_space<vmem>>, vector<1x16xf32>,
      %broadcast_in_dim3A_40 = arith.constant 0.000000e+00 : f32
      %broadcast_in_dim3A_41 = vector.broadcast %broadcast_in_dim3A_40 : f32 to vector<16xf32>
      %swap3A_42 = arith.index_cast %scan3A_27 : i32 to index
      %swap3A_43 = arith.constant 32 : index
      %swap3A_44 = tpu.vector_load %arg8[%swap3A_42, %swap3A_43] {strides = array<i32>} : memref<128x128xf32, #tpu.memory_space<vmem>>, vector<1x16xf32>,
      %swap3A_45 = vector.shape_cast %swap3A_44 : vector<1x16xf32> to vector<16xf32>
      %swap3A_46 = vector.shape_cast %broadcast_in_dim3A_41 : vector<16xf32> to vector<1x16xf32>
      tpu.vector_store %arg8[%swap3A_42, %swap3A_43], %swap3A_46 {strides = array<i32>} : memref<128x128xf32, #tpu.memory_space<vmem>>, vector<1x16xf32>,
      %broadcast_in_dim3A_47 = arith.constant 0.000000e+00 : f32
      %broadcast_in_dim3A_48 = vector.broadcast %broadcast_in_dim3A_47 : f32 to vector<16xf32>
      %swap3A_49 = arith.index_cast %scan3A_27 : i32 to index
      %swap3A_50 = arith.constant 48 : index
      %swap3A_51 = tpu.vector_load %arg8[%swap3A_49, %swap3A_50] {strides = array<i32>} : memref<128x128xf32, #tpu.memory_space<vmem>>, vector<1x16xf32>,
      %swap3A_52 = vector.shape_cast %swap3A_51 : vector<1x16xf32> to vector<16xf32>
      %swap3A_53 = vector.shape_cast %broadcast_in_dim3A_48 : vector<16xf32> to vector<1x16xf32>
      tpu.vector_store %arg8[%swap3A_49, %swap3A_50], %swap3A_53 {strides = array<i32>} : memref<128x128xf32, #tpu.memory_space<vmem>>, vector<1x16xf32>,
      %broadcast_in_dim3A_54 = arith.constant 0.000000e+00 : f32
      %broadcast_in_dim3A_55 = vector.broadcast %broadcast_in_dim3A_54 : f32 to vector<16xf32>
      %swap3A_56 = arith.index_cast %scan3A_27 : i32 to index
      %swap3A_57 = arith.constant 64 : index
      %swap3A_58 = tpu.vector_load %arg8[%swap3A_56, %swap3A_57] {strides = array<i32>} : memref<128x128xf32, #tpu.memory_space<vmem>>, vector<1x16xf32>,
      %swap3A_59 = vector.shape_cast %swap3A_58 : vector<1x16xf32> to vector<16xf32>
      %swap3A_60 = vector.shape_cast %broadcast_in_dim3A_55 : vector<16xf32> to vector<1x16xf32>
      tpu.vector_store %arg8[%swap3A_56, %swap3A_57], %swap3A_60 {strides = array<i32>} : memref<128x128xf32, #tpu.memory_space<vmem>>, vector<1x16xf32>,
      %broadcast_in_dim3A_61 = arith.constant 0.000000e+00 : f32
      %broadcast_in_dim3A_62 = vector.broadcast %broadcast_in_dim3A_61 : f32 to vector<16xf32>
      %swap3A_63 = arith.index_cast %scan3A_27 : i32 to index
      %swap3A_64 = arith.constant 80 : index
      %swap3A_65 = tpu.vector_load %arg8[%swap3A_63, %swap3A_64] {strides = array<i32>} : memref<128x128xf32, #tpu.memory_space<vmem>>, vector<1x16xf32>,
      %swap3A_66 = vector.shape_cast %swap3A_65 : vector<1x16xf32> to vector<16xf32>
      %swap3A_67 = vector.shape_cast %broadcast_in_dim3A_62 : vector<16xf32> to vector<1x16xf32>
      tpu.vector_store %arg8[%swap3A_63, %swap3A_64], %swap3A_67 {strides = array<i32>} : memref<128x128xf32, #tpu.memory_space<vmem>>, vector<1x16xf32>,
      %broadcast_in_dim3A_68 = arith.constant 0.000000e+00 : f32
      %broadcast_in_dim3A_69 = vector.broadcast %broadcast_in_dim3A_68 : f32 to vector<16xf32>
      %swap3A_70 = arith.index_cast %scan3A_27 : i32 to index
      %swap3A_71 = arith.constant 96 : index
      %swap3A_72 = tpu.vector_load %arg8[%swap3A_70, %swap3A_71] {strides = array<i32>} : memref<128x128xf32, #tpu.memory_space<vmem>>, vector<1x16xf32>,
      %swap3A_73 = vector.shape_cast %swap3A_72 : vector<1x16xf32> to vector<16xf32>
      %swap3A_74 = vector.shape_cast %broadcast_in_dim3A_69 : vector<16xf32> to vector<1x16xf32>
      tpu.vector_store %arg8[%swap3A_70, %swap3A_71], %swap3A_74 {strides = array<i32>} : memref<128x128xf32, #tpu.memory_space<vmem>>, vector<1x16xf32>,
      %broadcast_in_dim3A_75 = arith.constant 0.000000e+00 : f32
      %broadcast_in_dim3A_76 = vector.broadcast %broadcast_in_dim3A_75 : f32 to vector<16xf32>
      %swap3A_77 = arith.index_cast %scan3A_27 : i32 to index
      %swap3A_78 = arith.constant 112 : index
      %swap3A_79 = tpu.vector_load %arg8[%swap3A_77, %swap3A_78] {strides = array<i32>} : memref<128x128xf32, #tpu.memory_space<vmem>>, vector<1x16xf32>,
      %swap3A_80 = vector.shape_cast %swap3A_79 : vector<1x16xf32> to vector<16xf32>
      %swap3A_81 = vector.shape_cast %broadcast_in_dim3A_76 : vector<16xf32> to vector<1x16xf32>
      tpu.vector_store %arg8[%swap3A_77, %swap3A_78], %swap3A_81 {strides = array<i32>} : memref<128x128xf32, #tpu.memory_space<vmem>>, vector<1x16xf32>,
    }
    %scan3A_4 = arith.constant 128 : i32
    %mul3A_5 = arith.constant 632 : i32
    %mul3A_6 = arith.muli %arg1, %mul3A_5 : i32
    %add3A_7 = arith.constant 0 : i32
    %add3A_8 = arith.addi %mul3A_6, %add3A_7 : i32
    "tpu.region"() ({
      %run_scoped3A = tpu.sem_alloc : memref<!tpu.dma_semaphore, #tpu.memory_space<semaphore_mem>>
      %dma_start3A = arith.constant 0 : i32
      %dma_start3A_27 = tpu.memref_slice %arg9[%add3A_8, %dma_start3A] : memref<10112x128xf32, #tpu.memory_space<vmem_shared>> -> memref<128x128xf32, #tpu.memory_space<vmem_shared>>
      %dma_start3A_28 = arith.constant 0 : i32
      %dma_start3A_29 = tpu.memref_slice %arg9[%add3A_8, %dma_start3A_28] : memref<10112x128xf32, #tpu.memory_space<vmem_shared>> -> memref<128x128xf32, #tpu.memory_space<vmem_shared>>
      tpu.enqueue_dma source(%arg8 : memref<128x128xf32, #tpu.memory_space<vmem>>) target(%dma_start3A_29 : memref<128x128xf32, #tpu.memory_space<vmem_shared>>) target_semaphore(%run_scoped3A : memref<!tpu.dma_semaphore, #tpu.memory_space<semaphore_mem>>)
      %dma_wait3A = arith.constant 0 : i32
      %dma_wait3A_30 = tpu.memref_slice %arg9[%add3A_8, %dma_wait3A] : memref<10112x128xf32, #tpu.memory_space<vmem_shared>> -> memref<128x128xf32, #tpu.memory_space<vmem_shared>>
      %dma_wait3A_31 = arith.constant 0 : i32
      %dma_wait3A_32 = tpu.memref_slice %arg9[%add3A_8, %dma_wait3A_31] : memref<10112x128xf32, #tpu.memory_space<vmem_shared>> -> memref<128x128xf32, #tpu.memory_space<vmem_shared>>
      tpu.wait_dma2 semaphore(%run_scoped3A : memref<!tpu.dma_semaphore, #tpu.memory_space<semaphore_mem>>) src(%arg8 : memref<128x128xf32, #tpu.memory_space<vmem>>) dst(%dma_wait3A_32 : memref<128x128xf32, #tpu.memory_space<vmem_shared>>)
      tpu.yield
    }) : () -> ()
    %add3A_9 = arith.constant 128 : i32
    %add3A_10 = arith.addi %mul3A_6, %add3A_9 : i32
    "tpu.region"() ({
      %run_scoped3A = tpu.sem_alloc : memref<!tpu.dma_semaphore, #tpu.memory_space<semaphore_mem>>
      %dma_start3A = arith.constant 0 : i32
      %dma_start3A_27 = tpu.memref_slice %arg9[%add3A_10, %dma_start3A] : memref<10112x128xf32, #tpu.memory_space<vmem_shared>> -> memref<128x128xf32, #tpu.memory_space<vmem_shared>>
      %dma_start3A_28 = arith.constant 0 : i32
      %dma_start3A_29 = tpu.memref_slice %arg9[%add3A_10, %dma_start3A_28] : memref<10112x128xf32, #tpu.memory_space<vmem_shared>> -> memref<128x128xf32, #tpu.memory_space<vmem_shared>>
      tpu.enqueue_dma source(%arg8 : memref<128x128xf32, #tpu.memory_space<vmem>>) target(%dma_start3A_29 : memref<128x128xf32, #tpu.memory_space<vmem_shared>>) target_semaphore(%run_scoped3A : memref<!tpu.dma_semaphore, #tpu.memory_space<semaphore_mem>>)
      %dma_wait3A = arith.constant 0 : i32
      %dma_wait3A_30 = tpu.memref_slice %arg9[%add3A_10, %dma_wait3A] : memref<10112x128xf32, #tpu.memory_space<vmem_shared>> -> memref<128x128xf32, #tpu.memory_space<vmem_shared>>
      %dma_wait3A_31 = arith.constant 0 : i32
      %dma_wait3A_32 = tpu.memref_slice %arg9[%add3A_10, %dma_wait3A_31] : memref<10112x128xf32, #tpu.memory_space<vmem_shared>> -> memref<128x128xf32, #tpu.memory_space<vmem_shared>>
      tpu.wait_dma2 semaphore(%run_scoped3A : memref<!tpu.dma_semaphore, #tpu.memory_space<semaphore_mem>>) src(%arg8 : memref<128x128xf32, #tpu.memory_space<vmem>>) dst(%dma_wait3A_32 : memref<128x128xf32, #tpu.memory_space<vmem_shared>>)
      tpu.yield
    }) : () -> ()
    %add3A_11 = arith.constant 256 : i32
    %add3A_12 = arith.addi %mul3A_6, %add3A_11 : i32
    "tpu.region"() ({
      %run_scoped3A = tpu.sem_alloc : memref<!tpu.dma_semaphore, #tpu.memory_space<semaphore_mem>>
      %dma_start3A = arith.constant 0 : i32
      %dma_start3A_27 = tpu.memref_slice %arg9[%add3A_12, %dma_start3A] : memref<10112x128xf32, #tpu.memory_space<vmem_shared>> -> memref<128x128xf32, #tpu.memory_space<vmem_shared>>
      %dma_start3A_28 = arith.constant 0 : i32
      %dma_start3A_29 = tpu.memref_slice %arg9[%add3A_12, %dma_start3A_28] : memref<10112x128xf32, #tpu.memory_space<vmem_shared>> -> memref<128x128xf32, #tpu.memory_space<vmem_shared>>
      tpu.enqueue_dma source(%arg8 : memref<128x128xf32, #tpu.memory_space<vmem>>) target(%dma_start3A_29 : memref<128x128xf32, #tpu.memory_space<vmem_shared>>) target_semaphore(%run_scoped3A : memref<!tpu.dma_semaphore, #tpu.memory_space<semaphore_mem>>)
      %dma_wait3A = arith.constant 0 : i32
      %dma_wait3A_30 = tpu.memref_slice %arg9[%add3A_12, %dma_wait3A] : memref<10112x128xf32, #tpu.memory_space<vmem_shared>> -> memref<128x128xf32, #tpu.memory_space<vmem_shared>>
      %dma_wait3A_31 = arith.constant 0 : i32
      %dma_wait3A_32 = tpu.memref_slice %arg9[%add3A_12, %dma_wait3A_31] : memref<10112x128xf32, #tpu.memory_space<vmem_shared>> -> memref<128x128xf32, #tpu.memory_space<vmem_shared>>
      tpu.wait_dma2 semaphore(%run_scoped3A : memref<!tpu.dma_semaphore, #tpu.memory_space<semaphore_mem>>) src(%arg8 : memref<128x128xf32, #tpu.memory_space<vmem>>) dst(%dma_wait3A_32 : memref<128x128xf32, #tpu.memory_space<vmem_shared>>)
      tpu.yield
    }) : () -> ()
    %add3A_13 = arith.constant 384 : i32
    %add3A_14 = arith.addi %mul3A_6, %add3A_13 : i32
    "tpu.region"() ({
      %run_scoped3A = tpu.sem_alloc : memref<!tpu.dma_semaphore, #tpu.memory_space<semaphore_mem>>
      %dma_start3A = arith.constant 0 : i32
      %dma_start3A_27 = tpu.memref_slice %arg9[%add3A_14, %dma_start3A] : memref<10112x128xf32, #tpu.memory_space<vmem_shared>> -> memref<128x128xf32, #tpu.memory_space<vmem_shared>>
      %dma_start3A_28 = arith.constant 0 : i32
      %dma_start3A_29 = tpu.memref_slice %arg9[%add3A_14, %dma_start3A_28] : memref<10112x128xf32, #tpu.memory_space<vmem_shared>> -> memref<128x128xf32, #tpu.memory_space<vmem_shared>>
      tpu.enqueue_dma source(%arg8 : memref<128x128xf32, #tpu.memory_space<vmem>>) target(%dma_start3A_29 : memref<128x128xf32, #tpu.memory_space<vmem_shared>>) target_semaphore(%run_scoped3A : memref<!tpu.dma_semaphore, #tpu.memory_space<semaphore_mem>>)
      %dma_wait3A = arith.constant 0 : i32
      %dma_wait3A_30 = tpu.memref_slice %arg9[%add3A_14, %dma_wait3A] : memref<10112x128xf32, #tpu.memory_space<vmem_shared>> -> memref<128x128xf32, #tpu.memory_space<vmem_shared>>
      %dma_wait3A_31 = arith.constant 0 : i32
      %dma_wait3A_32 = tpu.memref_slice %arg9[%add3A_14, %dma_wait3A_31] : memref<10112x128xf32, #tpu.memory_space<vmem_shared>> -> memref<128x128xf32, #tpu.memory_space<vmem_shared>>
      tpu.wait_dma2 semaphore(%run_scoped3A : memref<!tpu.dma_semaphore, #tpu.memory_space<semaphore_mem>>) src(%arg8 : memref<128x128xf32, #tpu.memory_space<vmem>>) dst(%dma_wait3A_32 : memref<128x128xf32, #tpu.memory_space<vmem_shared>>)
      tpu.yield
    }) : () -> ()
    %add3A_15 = arith.constant 512 : i32
    %add3A_16 = arith.addi %mul3A_6, %add3A_15 : i32
    "tpu.region"() ({
      %run_scoped3A = tpu.sem_alloc : memref<!tpu.dma_semaphore, #tpu.memory_space<semaphore_mem>>
      %dma_start3A = arith.constant 0 : i32
      %dma_start3A_27 = arith.constant 0 : i32
      %dma_start3A_28 = tpu.memref_slice %arg8[%dma_start3A, %dma_start3A_27] : memref<128x128xf32, #tpu.memory_space<vmem>> -> memref<120x128xf32, #tpu.memory_space<vmem>>
      %dma_start3A_29 = arith.constant 0 : i32
      %dma_start3A_30 = tpu.memref_slice %arg9[%add3A_16, %dma_start3A_29] : memref<10112x128xf32, #tpu.memory_space<vmem_shared>> -> memref<120x128xf32, #tpu.memory_space<vmem_shared>>
      %dma_start3A_31 = arith.constant 0 : i32
      %dma_start3A_32 = tpu.memref_slice %arg9[%add3A_16, %dma_start3A_31] : memref<10112x128xf32, #tpu.memory_space<vmem_shared>> -> memref<120x128xf32, #tpu.memory_space<vmem_shared>>
      %dma_start3A_33 = arith.constant 0 : i32
      %dma_start3A_34 = arith.constant 0 : i32
      %dma_start3A_35 = tpu.memref_slice %arg8[%dma_start3A_33, %dma_start3A_34] : memref<128x128xf32, #tpu.memory_space<vmem>> -> memref<120x128xf32, #tpu.memory_space<vmem>>
      tpu.enqueue_dma source(%dma_start3A_35 : memref<120x128xf32, #tpu.memory_space<vmem>>) target(%dma_start3A_32 : memref<120x128xf32, #tpu.memory_space<vmem_shared>>) target_semaphore(%run_scoped3A : memref<!tpu.dma_semaphore, #tpu.memory_space<semaphore_mem>>)
      %dma_wait3A = arith.constant 0 : i32
      %dma_wait3A_36 = arith.constant 0 : i32
      %dma_wait3A_37 = tpu.memref_slice %arg8[%dma_wait3A, %dma_wait3A_36] : memref<128x128xf32, #tpu.memory_space<vmem>> -> memref<120x128xf32, #tpu.memory_space<vmem>>
      %dma_wait3A_38 = arith.constant 0 : i32
      %dma_wait3A_39 = tpu.memref_slice %arg9[%add3A_16, %dma_wait3A_38] : memref<10112x128xf32, #tpu.memory_space<vmem_shared>> -> memref<120x128xf32, #tpu.memory_space<vmem_shared>>
      %dma_wait3A_40 = arith.constant 0 : i32
      %dma_wait3A_41 = tpu.memref_slice %arg9[%add3A_16, %dma_wait3A_40] : memref<10112x128xf32, #tpu.memory_space<vmem_shared>> -> memref<120x128xf32, #tpu.memory_space<vmem_shared>>
      %dma_wait3A_42 = arith.constant 0 : i32
      %dma_wait3A_43 = arith.constant 0 : i32
      %dma_wait3A_44 = tpu.memref_slice %arg8[%dma_wait3A_42, %dma_wait3A_43] : memref<128x128xf32, #tpu.memory_space<vmem>> -> memref<120x128xf32, #tpu.memory_space<vmem>>
      tpu.wait_dma2 semaphore(%run_scoped3A : memref<!tpu.dma_semaphore, #tpu.memory_space<semaphore_mem>>) src(%dma_wait3A_44 : memref<120x128xf32, #tpu.memory_space<vmem>>) dst(%dma_wait3A_41 : memref<120x128xf32, #tpu.memory_space<vmem_shared>>)
      tpu.yield
    }) : () -> ()
    %barrier3A = arith.constant 0 : index
    tpu.barrier barrier_id(%barrier3A)
    %scan3A_17 = arith.constant 0 : i32
    %scan3A_18 = arith.constant 79 : i32
    %scan3A_19 = arith.addi %scan3A_17, %scan3A_18 : i32
    %scan3A_20 = arith.constant 1 : i32
    scf.for %scan3A_27 = %scan3A_17 to %scan3A_19 step %scan3A_20  : i32 {
      %dma_start3A = arith.constant 0 : i32
      %dma_start3A_28 = tpu.memref_slice %arg6[%scan3A_27, %dma_start3A] : memref<79x128xi32, #tpu.memory_space<vmem>> -> memref<1x128xi32, #tpu.memory_space<vmem>>
      %dma_start3A_29 = tpu.memref_squeeze %dma_start3A_28 : memref<1x128xi32, #tpu.memory_space<vmem>> -> memref<128xi32, #tpu.memory_space<vmem>>
      %dma_start3A_30 = arith.constant 0 : i32
      %dma_start3A_31 = arith.constant 0 : i32
      %dma_start3A_32 = tpu.memref_slice %arg2[%dma_start3A_30, %dma_start3A_31] : memref<10112x128xf32, #tpu.memory_space<hbm>> -> memref<10112x128xf32, #tpu.memory_space<hbm>>
      tpu.enqueue_indirect_dma source(%dma_start3A_32 : memref<10112x128xf32, #tpu.memory_space<hbm>>) target(%arg8 : memref<128x128xf32, #tpu.memory_space<vmem>>) offsets(%dma_start3A_29 : memref<128xi32, #tpu.memory_space<vmem>>) semaphore(%arg10 : memref<!tpu.dma_semaphore, #tpu.memory_space<semaphore_mem>>)
      %dma_wait3A = arith.constant 0 : i32
      %dma_wait3A_33 = tpu.memref_slice %arg6[%scan3A_27, %dma_wait3A] : memref<79x128xi32, #tpu.memory_space<vmem>> -> memref<1x128xi32, #tpu.memory_space<vmem>>
      %dma_wait3A_34 = tpu.memref_squeeze %dma_wait3A_33 : memref<1x128xi32, #tpu.memory_space<vmem>> -> memref<128xi32, #tpu.memory_space<vmem>>
      %dma_wait3A_35 = arith.constant 0 : i32
      %dma_wait3A_36 = arith.constant 0 : i32
      %dma_wait3A_37 = tpu.memref_slice %arg2[%dma_wait3A_35, %dma_wait3A_36] : memref<10112x128xf32, #tpu.memory_space<hbm>> -> memref<10112x128xf32, #tpu.memory_space<hbm>>
      tpu.wait_indirect_dma semaphore(%arg10 : memref<!tpu.dma_semaphore, #tpu.memory_space<semaphore_mem>>) src(%dma_wait3A_37 : memref<10112x128xf32, #tpu.memory_space<hbm>>) dst(%arg8 : memref<128x128xf32, #tpu.memory_space<vmem>>)
      "tpu.region"() ({
        %run_scoped3A = tpu.sem_alloc : memref<!tpu.dma_semaphore, #tpu.memory_space<semaphore_mem>>
        %dma_start3A_38 = arith.constant 0 : i32
        %dma_start3A_39 = tpu.memref_slice %arg7[%scan3A_27, %dma_start3A_38] : memref<79x128xi32, #tpu.memory_space<vmem>> -> memref<1x128xi32, #tpu.memory_space<vmem>>
        %dma_start3A_40 = tpu.memref_squeeze %dma_start3A_39 : memref<1x128xi32, #tpu.memory_space<vmem>> -> memref<128xi32, #tpu.memory_space<vmem>>
        %dma_start3A_41 = arith.constant 0 : i32
        %dma_start3A_42 = arith.constant 0 : i32
        %dma_start3A_43 = tpu.memref_slice %arg9[%dma_start3A_41, %dma_start3A_42] : memref<10112x128xf32, #tpu.memory_space<vmem_shared>> -> memref<10112x128xf32, #tpu.memory_space<vmem_shared>>
        tpu.enqueue_indirect_dma source(%arg8 : memref<128x128xf32, #tpu.memory_space<vmem>>) target(%dma_start3A_43 : memref<10112x128xf32, #tpu.memory_space<vmem_shared>>) offsets(%dma_start3A_40 : memref<128xi32, #tpu.memory_space<vmem>>) semaphore(%run_scoped3A : memref<!tpu.dma_semaphore, #tpu.memory_space<semaphore_mem>>) {add = true}
        %dma_wait3A_44 = arith.constant 0 : i32
        %dma_wait3A_45 = tpu.memref_slice %arg7[%scan3A_27, %dma_wait3A_44] : memref<79x128xi32, #tpu.memory_space<vmem>> -> memref<1x128xi32, #tpu.memory_space<vmem>>
        %dma_wait3A_46 = tpu.memref_squeeze %dma_wait3A_45 : memref<1x128xi32, #tpu.memory_space<vmem>> -> memref<128xi32, #tpu.memory_space<vmem>>
        %dma_wait3A_47 = arith.constant 0 : i32
        %dma_wait3A_48 = arith.constant 0 : i32
        %dma_wait3A_49 = tpu.memref_slice %arg9[%dma_wait3A_47, %dma_wait3A_48] : memref<10112x128xf32, #tpu.memory_space<vmem_shared>> -> memref<10112x128xf32, #tpu.memory_space<vmem_shared>>
        tpu.wait_indirect_dma semaphore(%run_scoped3A : memref<!tpu.dma_semaphore, #tpu.memory_space<semaphore_mem>>) src(%arg8 : memref<128x128xf32, #tpu.memory_space<vmem>>) dst(%dma_wait3A_49 : memref<10112x128xf32, #tpu.memory_space<vmem_shared>>)
        tpu.yield
      }) : () -> ()
    }
    %scan3A_21 = arith.constant 79 : i32
    %barrier3A_22 = arith.constant 0 : index
    tpu.barrier barrier_id(%barrier3A_22)
    %mul3A_23 = arith.constant 632 : i32
    %mul3A_24 = arith.muli %arg1, %mul3A_23 : i32
    %mul3A_25 = arith.constant 632 : i32
    %mul3A_26 = arith.muli %arg1, %mul3A_25 : i32
    "tpu.region"() ({
      %run_scoped3A = tpu.sem_alloc : memref<!tpu.dma_semaphore, #tpu.memory_space<semaphore_mem>>
      %dma_start3A = arith.constant 0 : i32
      %dma_start3A_27 = tpu.memref_slice %arg5[%arg0, %mul3A_26, %dma_start3A] : memref<2x10112x128xf32, #tpu.memory_space<hbm>> -> memref<1x632x128xf32, #tpu.memory_space<hbm>>
      %dma_start3A_28 = tpu.memref_squeeze %dma_start3A_27 : memref<1x632x128xf32, #tpu.memory_space<hbm>> -> memref<632x128xf32, #tpu.memory_space<hbm>>
      %dma_start3A_29 = arith.constant 0 : i32
      %dma_start3A_30 = tpu.memref_slice %arg9[%mul3A_24, %dma_start3A_29] : memref<10112x128xf32, #tpu.memory_space<vmem_shared>> -> memref<632x128xf32, #tpu.memory_space<vmem_shared>>
      tpu.enqueue_dma source(%dma_start3A_30 : memref<632x128xf32, #tpu.memory_space<vmem_shared>>) target(%dma_start3A_28 : memref<632x128xf32, #tpu.memory_space<hbm>>) target_semaphore(%run_scoped3A : memref<!tpu.dma_semaphore, #tpu.memory_space<semaphore_mem>>)
      %dma_wait3A = arith.constant 0 : i32
      %dma_wait3A_31 = tpu.memref_slice %arg5[%arg0, %mul3A_26, %dma_wait3A] : memref<2x10112x128xf32, #tpu.memory_space<hbm>> -> memref<1x632x128xf32, #tpu.memory_space<hbm>>
      %dma_wait3A_32 = tpu.memref_squeeze %dma_wait3A_31 : memref<1x632x128xf32, #tpu.memory_space<hbm>> -> memref<632x128xf32, #tpu.memory_space<hbm>>
      %dma_wait3A_33 = arith.constant 0 : i32
      %dma_wait3A_34 = tpu.memref_slice %arg9[%mul3A_24, %dma_wait3A_33] : memref<10112x128xf32, #tpu.memory_space<vmem_shared>> -> memref<632x128xf32, #tpu.memory_space<vmem_shared>>
      tpu.wait_dma2 semaphore(%run_scoped3A : memref<!tpu.dma_semaphore, #tpu.memory_space<semaphore_mem>>) src(%dma_wait3A_34 : memref<632x128xf32, #tpu.memory_space<vmem_shared>>) dst(%dma_wait3A_32 : memref<632x128xf32, #tpu.memory_space<hbm>>)
      tpu.yield
    }) : () -> ()
    return
  }
}

module attributes {stable_mosaic.version = 14 : i64} {
  func.func @body(%arg0: i32, %arg1: memref<32x1x1x128xf32, #tpu.memory_space<vmem>>, %arg2: memref<128x1xf32, #tpu.memory_space<vmem>>) attributes {dimension_semantics = [#tpu.dimension_semantics<arbitrary>], iteration_bounds = array<i64: 79>, scalar_prefetch = 0 : i64, scratch_operands = 0 : i64, tpu.core_type = #tpu.core_type<tc>, window_params = [{transform_indices = @transform_0, window_bounds = array<i64: 32, 1, 1, 128>}, {transform_indices = @transform_1, window_bounds = array<i64: 128, 1>}]} {
    %get3A = arith.constant 0 : index
    %get3A_0 = arith.constant 0 : index
    %get3A_1 = arith.constant 0 : index
    %get3A_2 = arith.constant 0 : index
    %get3A_3 = vector.load %arg1[%get3A, %get3A_0, %get3A_1, %get3A_2] : memref<32x1x1x128xf32, #tpu.memory_space<vmem>>, vector<32x1x1x128xf32>
    %reduce_sum3A = arith.constant dense<0.000000e+00> : vector<1x1x128xf32>
    %reduce_sum3A_4 = vector.multi_reduction <add>, %get3A_3, %reduce_sum3A [0] : vector<32x1x1x128xf32> to vector<1x1x128xf32>
    %squeeze3A = vector.shape_cast %reduce_sum3A_4 : vector<1x1x128xf32> to vector<1x128xf32>
    %add3A = arith.constant 1.000000e+00 : f32
    %add3A_5 = vector.broadcast %add3A : f32 to vector<1x128xf32>
    %add3A_6 = arith.addf %squeeze3A, %add3A_5 : vector<1x128xf32>
    %gt3A = arith.constant 0.000000e+00 : f32
    %gt3A_7 = vector.broadcast %gt3A : f32 to vector<1x128xf32>
    %gt3A_8 = arith.cmpf ogt, %add3A_6, %gt3A_7 : vector<1x128xf32>
    %max3A = arith.constant 9.99999996E-13 : f32
    %max3A_9 = vector.broadcast %max3A : f32 to vector<1x128xf32>
    %max3A_10 = arith.maximumf %add3A_6, %max3A_9 : vector<1x128xf32>
    %rsqrt3A = math.rsqrt %max3A_10 : vector<1x128xf32>
    %jit3A = arith.constant 0.000000e+00 : f32
    %broadcast_in_dim3A = vector.broadcast %jit3A : f32 to vector<1x128xf32>
    %select_n3A = arith.select %gt3A_8, %rsqrt3A, %broadcast_in_dim3A : vector<1x128xi1>, vector<1x128xf32>
    %transpose3A = tpu.transpose %select_n3A, [1, 0] : vector<1x128xf32> -> vector<128x1xf32>
    %swap3A = arith.constant 0 : index
    %swap3A_11 = arith.constant 0 : index
    %swap3A_12 = vector.load %arg2[%swap3A, %swap3A_11] : memref<128x1xf32, #tpu.memory_space<vmem>>, vector<128x1xf32>
    tpu.vector_store %arg2[%swap3A, %swap3A_11], %transpose3A {strides = array<i32>} : memref<128x1xf32, #tpu.memory_space<vmem>>, vector<128x1xf32>,
    return
  }
  func.func @transform_0(%arg0: i32) -> (i32, i32, i32, i32) {
    %c0_i32 = arith.constant 0 : i32
    %c0_i32_0 = arith.constant 0 : i32
    %c0_i32_1 = arith.constant 0 : i32
    %c0_i32_2 = arith.constant 0 : i32
    return %c0_i32, %arg0, %c0_i32_0, %c0_i32_1 : i32, i32, i32, i32
  }
  func.func @transform_1(%arg0: i32) -> (i32, i32) {
    %c0_i32 = arith.constant 0 : i32
    %c0_i32_0 = arith.constant 0 : i32
    return %arg0, %c0_i32 : i32, i32
  }
}

module attributes {stable_mosaic.version = 14 : i64} {
  func.func @body(%arg0: i32, %arg1: memref<1264x128xf32, #tpu.memory_space<vmem>>, %arg2: memref<128x128xf32, #tpu.memory_space<vmem>>, %arg3: memref<1264x1xf32, #tpu.memory_space<vmem>>, %arg4: memref<1264x128xf32, #tpu.memory_space<vmem>>) attributes {dimension_semantics = [#tpu.dimension_semantics<arbitrary>], iteration_bounds = array<i64: 8>, scalar_prefetch = 0 : i64, scratch_operands = 0 : i64, tpu.core_type = #tpu.core_type<tc>, window_params = [{transform_indices = @transform_0, window_bounds = array<i64: 1264, 128>}, {pipeline_mode = #tpu.pipeline_mode<synchronous>, transform_indices = @transform_1, window_bounds = array<i64: 128, 128>}, {transform_indices = @transform_2, window_bounds = array<i64: 1264, 1>}, {transform_indices = @transform_3, window_bounds = array<i64: 1264, 128>}]} {
    %get3A = arith.constant 0 : index
    %get3A_0 = arith.constant 0 : index
    %get3A_1 = vector.load %arg1[%get3A, %get3A_0] : memref<1264x128xf32, #tpu.memory_space<vmem>>, vector<1264x128xf32>
    %get3A_2 = arith.constant 0 : index
    %get3A_3 = arith.constant 0 : index
    %get3A_4 = vector.load %arg2[%get3A_2, %get3A_3] : memref<128x128xf32, #tpu.memory_space<vmem>>, vector<128x128xf32>
    %dot_general3A = arith.constant dense<0.000000e+00> : vector<1264x128xf32>
    %dot_general3A_5 = tpu.matmul %get3A_1, %get3A_4, %dot_general3A {dimension_numbers = #tpu.dot_dimension_numbers<[1], [0], [0], [1], [0, 0, 1, 1], [], []>, transpose_lhs_hint = false} : vector<1264x128xf32>, vector<128x128xf32>, vector<1264x128xf32> -> vector<1264x128xf32>
    %get3A_6 = arith.constant 0 : index
    %get3A_7 = arith.constant 0 : index
    %get3A_8 = vector.load %arg3[%get3A_6, %get3A_7] : memref<1264x1xf32, #tpu.memory_space<vmem>>, vector<1264x1xf32>
    %mul3A = vector.broadcast %get3A_8 : vector<1264x1xf32> to vector<1264x128xf32>
    %mul3A_9 = arith.mulf %dot_general3A_5, %mul3A : vector<1264x128xf32>
    %swap3A = arith.constant 0 : index
    %swap3A_10 = arith.constant 0 : index
    %swap3A_11 = vector.load %arg4[%swap3A, %swap3A_10] : memref<1264x128xf32, #tpu.memory_space<vmem>>, vector<1264x128xf32>
    tpu.vector_store %arg4[%swap3A, %swap3A_10], %mul3A_9 {strides = array<i32>} : memref<1264x128xf32, #tpu.memory_space<vmem>>, vector<1264x128xf32>,
    return
  }
  func.func @transform_0(%arg0: i32) -> (i32, i32) {
    %c0_i32 = arith.constant 0 : i32
    %c0_i32_0 = arith.constant 0 : i32
    return %arg0, %c0_i32 : i32, i32
  }
  func.func @transform_1(%arg0: i32) -> (i32, i32) {
    %c0_i32 = arith.constant 0 : i32
    %c0_i32_0 = arith.constant 0 : i32
    %c0_i32_1 = arith.constant 0 : i32
    return %c0_i32, %c0_i32_0 : i32, i32
  }
  func.func @transform_2(%arg0: i32) -> (i32, i32) {
    %c0_i32 = arith.constant 0 : i32
    %c0_i32_0 = arith.constant 0 : i32
    return %arg0, %c0_i32 : i32, i32
  }
  func.func @transform_3(%arg0: i32) -> (i32, i32) {
    %c0_i32 = arith.constant 0 : i32
    %c0_i32_0 = arith.constant 0 : i32
    return %arg0, %c0_i32 : i32, i32
  }
}

module attributes {stable_mosaic.version = 14 : i64} {
  func.func @body(%arg0: i32, %arg1: memref<2x1264x128xf32, #tpu.memory_space<vmem>>, %arg2: memref<1264x128xf32, #tpu.memory_space<vmem>>, %arg3: memref<1264x1xf32, #tpu.memory_space<vmem>>, %arg4: memref<1x128xf32, #tpu.memory_space<vmem>>, %arg5: memref<1264x128xf32, #tpu.memory_space<vmem>>) attributes {dimension_semantics = [#tpu.dimension_semantics<arbitrary>], iteration_bounds = array<i64: 8>, scalar_prefetch = 0 : i64, scratch_operands = 0 : i64, tpu.core_type = #tpu.core_type<tc>, window_params = [{transform_indices = @transform_0, window_bounds = array<i64: 2, 1264, 128>}, {transform_indices = @transform_1, window_bounds = array<i64: 1264, 128>}, {transform_indices = @transform_2, window_bounds = array<i64: 1264, 1>}, {pipeline_mode = #tpu.pipeline_mode<synchronous>, transform_indices = @transform_3, window_bounds = array<i64: 1, 128>}, {transform_indices = @transform_4, window_bounds = array<i64: 1264, 128>}]} {
    %get3A = arith.constant 0 : index
    %get3A_0 = arith.constant 0 : index
    %get3A_1 = vector.load %arg3[%get3A, %get3A_0] : memref<1264x1xf32, #tpu.memory_space<vmem>>, vector<1264x1xf32>
    %get3A_2 = arith.constant 0 : index
    %get3A_3 = arith.constant 0 : index
    %get3A_4 = arith.constant 0 : index
    %get3A_5 = vector.load %arg1[%get3A_2, %get3A_3, %get3A_4] : memref<2x1264x128xf32, #tpu.memory_space<vmem>>, vector<1x1264x128xf32>
    %get3A_6 = vector.shape_cast %get3A_5 : vector<1x1264x128xf32> to vector<1264x128xf32>
    %get3A_7 = arith.constant 1 : index
    %get3A_8 = arith.constant 0 : index
    %get3A_9 = arith.constant 0 : index
    %get3A_10 = vector.load %arg1[%get3A_7, %get3A_8, %get3A_9] : memref<2x1264x128xf32, #tpu.memory_space<vmem>>, vector<1x1264x128xf32>
    %get3A_11 = vector.shape_cast %get3A_10 : vector<1x1264x128xf32> to vector<1264x128xf32>
    %add3A = arith.addf %get3A_6, %get3A_11 : vector<1264x128xf32>
    %get3A_12 = arith.constant 0 : index
    %get3A_13 = arith.constant 0 : index
    %get3A_14 = vector.load %arg2[%get3A_12, %get3A_13] : memref<1264x128xf32, #tpu.memory_space<vmem>>, vector<1264x128xf32>
    %add3A_15 = arith.addf %add3A, %get3A_14 : vector<1264x128xf32>
    %mul3A = vector.broadcast %get3A_1 : vector<1264x1xf32> to vector<1264x128xf32>
    %mul3A_16 = arith.mulf %add3A_15, %mul3A : vector<1264x128xf32>
    %get3A_17 = arith.constant 0 : index
    %get3A_18 = arith.constant 0 : index
    %get3A_19 = vector.load %arg4[%get3A_17, %get3A_18] : memref<1x128xf32, #tpu.memory_space<vmem>>, vector<1x128xf32>
    %add3A_20 = vector.broadcast %get3A_19 : vector<1x128xf32> to vector<1264x128xf32>
    %add3A_21 = arith.addf %mul3A_16, %add3A_20 : vector<1264x128xf32>
    %max3A = arith.constant 0.000000e+00 : f32
    %max3A_22 = vector.broadcast %max3A : f32 to vector<1264x128xf32>
    %max3A_23 = arith.maximumf %add3A_21, %max3A_22 : vector<1264x128xf32>
    %mul3A_24 = vector.broadcast %get3A_1 : vector<1264x1xf32> to vector<1264x128xf32>
    %mul3A_25 = arith.mulf %max3A_23, %mul3A_24 : vector<1264x128xf32>
    %swap3A = arith.constant 0 : index
    %swap3A_26 = arith.constant 0 : index
    %swap3A_27 = vector.load %arg5[%swap3A, %swap3A_26] : memref<1264x128xf32, #tpu.memory_space<vmem>>, vector<1264x128xf32>
    tpu.vector_store %arg5[%swap3A, %swap3A_26], %mul3A_25 {strides = array<i32>} : memref<1264x128xf32, #tpu.memory_space<vmem>>, vector<1264x128xf32>,
    return
  }
  func.func @transform_0(%arg0: i32) -> (i32, i32, i32) {
    %c0_i32 = arith.constant 0 : i32
    %c0_i32_0 = arith.constant 0 : i32
    %c0_i32_1 = arith.constant 0 : i32
    return %c0_i32, %arg0, %c0_i32_0 : i32, i32, i32
  }
  func.func @transform_1(%arg0: i32) -> (i32, i32) {
    %c0_i32 = arith.constant 0 : i32
    %c0_i32_0 = arith.constant 0 : i32
    return %arg0, %c0_i32 : i32, i32
  }
  func.func @transform_2(%arg0: i32) -> (i32, i32) {
    %c0_i32 = arith.constant 0 : i32
    %c0_i32_0 = arith.constant 0 : i32
    return %arg0, %c0_i32 : i32, i32
  }
  func.func @transform_3(%arg0: i32) -> (i32, i32) {
    %c0_i32 = arith.constant 0 : i32
    %c0_i32_0 = arith.constant 0 : i32
    %c0_i32_1 = arith.constant 0 : i32
    return %c0_i32, %c0_i32_0 : i32, i32
  }
  func.func @transform_4(%arg0: i32) -> (i32, i32) {
    %c0_i32 = arith.constant 0 : i32
    %c0_i32_0 = arith.constant 0 : i32
    return %arg0, %c0_i32 : i32, i32
  }
}

module attributes {stable_mosaic.version = 14 : i64} {
  func.func @body(%arg0: i32, %arg1: memref<2x1264x128xf32, #tpu.memory_space<vmem>>, %arg2: memref<1264x128xf32, #tpu.memory_space<vmem>>, %arg3: memref<1264x1xf32, #tpu.memory_space<vmem>>, %arg4: memref<128x64xf32, #tpu.memory_space<vmem>>, %arg5: memref<1x64xf32, #tpu.memory_space<vmem>>, %arg6: memref<1264x64xf32, #tpu.memory_space<vmem>>) attributes {dimension_semantics = [#tpu.dimension_semantics<arbitrary>], iteration_bounds = array<i64: 8>, scalar_prefetch = 0 : i64, scratch_operands = 0 : i64, tpu.core_type = #tpu.core_type<tc>, window_params = [{transform_indices = @transform_0, window_bounds = array<i64: 2, 1264, 128>}, {transform_indices = @transform_1, window_bounds = array<i64: 1264, 128>}, {transform_indices = @transform_2, window_bounds = array<i64: 1264, 1>}, {pipeline_mode = #tpu.pipeline_mode<synchronous>, transform_indices = @transform_3, window_bounds = array<i64: 128, 64>}, {pipeline_mode = #tpu.pipeline_mode<synchronous>, transform_indices = @transform_4, window_bounds = array<i64: 1, 64>}, {transform_indices = @transform_5, window_bounds = array<i64: 1264, 64>}]} {
    %get3A = arith.constant 0 : index
    %get3A_0 = arith.constant 0 : index
    %get3A_1 = arith.constant 0 : index
    %get3A_2 = vector.load %arg1[%get3A, %get3A_0, %get3A_1] : memref<2x1264x128xf32, #tpu.memory_space<vmem>>, vector<1x1264x128xf32>
    %get3A_3 = vector.shape_cast %get3A_2 : vector<1x1264x128xf32> to vector<1264x128xf32>
    %get3A_4 = arith.constant 1 : index
    %get3A_5 = arith.constant 0 : index
    %get3A_6 = arith.constant 0 : index
    %get3A_7 = vector.load %arg1[%get3A_4, %get3A_5, %get3A_6] : memref<2x1264x128xf32, #tpu.memory_space<vmem>>, vector<1x1264x128xf32>
    %get3A_8 = vector.shape_cast %get3A_7 : vector<1x1264x128xf32> to vector<1264x128xf32>
    %add3A = arith.addf %get3A_3, %get3A_8 : vector<1264x128xf32>
    %get3A_9 = arith.constant 0 : index
    %get3A_10 = arith.constant 0 : index
    %get3A_11 = vector.load %arg2[%get3A_9, %get3A_10] : memref<1264x128xf32, #tpu.memory_space<vmem>>, vector<1264x128xf32>
    %add3A_12 = arith.addf %add3A, %get3A_11 : vector<1264x128xf32>
    %get3A_13 = arith.constant 0 : index
    %get3A_14 = arith.constant 0 : index
    %get3A_15 = vector.load %arg3[%get3A_13, %get3A_14] : memref<1264x1xf32, #tpu.memory_space<vmem>>, vector<1264x1xf32>
    %mul3A = vector.broadcast %get3A_15 : vector<1264x1xf32> to vector<1264x128xf32>
    %mul3A_16 = arith.mulf %add3A_12, %mul3A : vector<1264x128xf32>
    %get3A_17 = arith.constant 0 : index
    %get3A_18 = arith.constant 0 : index
    %get3A_19 = vector.load %arg4[%get3A_17, %get3A_18] : memref<128x64xf32, #tpu.memory_space<vmem>>, vector<128x64xf32>
    %dot_general3A = arith.constant dense<0.000000e+00> : vector<1264x64xf32>
    %dot_general3A_20 = tpu.matmul %mul3A_16, %get3A_19, %dot_general3A {dimension_numbers = #tpu.dot_dimension_numbers<[1], [0], [0], [1], [0, 0, 1, 1], [], []>, transpose_lhs_hint = false} : vector<1264x128xf32>, vector<128x64xf32>, vector<1264x64xf32> -> vector<1264x64xf32>
    %get3A_21 = arith.constant 0 : index
    %get3A_22 = arith.constant 0 : index
    %get3A_23 = vector.load %arg5[%get3A_21, %get3A_22] : memref<1x64xf32, #tpu.memory_space<vmem>>, vector<1x64xf32>
    %add3A_24 = vector.broadcast %get3A_23 : vector<1x64xf32> to vector<1264x64xf32>
    %add3A_25 = arith.addf %dot_general3A_20, %add3A_24 : vector<1264x64xf32>
    %reduce_max3A = arith.constant dense<0xFF800000> : vector<1264xf32>
    %reduce_max3A_26 = vector.multi_reduction <maximumf>, %add3A_25, %reduce_max3A [1] : vector<1264x64xf32> to vector<1264xf32>
    %broadcast_in_dim3A = vector.shape_cast %reduce_max3A_26 : vector<1264xf32> to vector<1264x1xf32>
    %sub3A = vector.broadcast %broadcast_in_dim3A : vector<1264x1xf32> to vector<1264x64xf32>
    %sub3A_27 = arith.subf %add3A_25, %sub3A : vector<1264x64xf32>
    %exp3A = math.exp %sub3A_27 : vector<1264x64xf32>
    %reduce_sum3A = arith.constant dense<0.000000e+00> : vector<1264xf32>
    %reduce_sum3A_28 = vector.multi_reduction <add>, %exp3A, %reduce_sum3A [1] : vector<1264x64xf32> to vector<1264xf32>
    %broadcast_in_dim3A_29 = vector.shape_cast %reduce_sum3A_28 : vector<1264xf32> to vector<1264x1xf32>
    %log3A = math.log %broadcast_in_dim3A_29 : vector<1264x1xf32>
    %add3A_30 = arith.addf %log3A, %broadcast_in_dim3A : vector<1264x1xf32>
    %sub3A_31 = vector.broadcast %add3A_30 : vector<1264x1xf32> to vector<1264x64xf32>
    %sub3A_32 = arith.subf %add3A_25, %sub3A_31 : vector<1264x64xf32>
    %swap3A = arith.constant 0 : index
    %swap3A_33 = arith.constant 0 : index
    %swap3A_34 = vector.load %arg6[%swap3A, %swap3A_33] : memref<1264x64xf32, #tpu.memory_space<vmem>>, vector<1264x64xf32>
    tpu.vector_store %arg6[%swap3A, %swap3A_33], %sub3A_32 {strides = array<i32>} : memref<1264x64xf32, #tpu.memory_space<vmem>>, vector<1264x64xf32>,
    return
  }
  func.func @transform_0(%arg0: i32) -> (i32, i32, i32) {
    %c0_i32 = arith.constant 0 : i32
    %c0_i32_0 = arith.constant 0 : i32
    %c0_i32_1 = arith.constant 0 : i32
    return %c0_i32, %arg0, %c0_i32_0 : i32, i32, i32
  }
  func.func @transform_1(%arg0: i32) -> (i32, i32) {
    %c0_i32 = arith.constant 0 : i32
    %c0_i32_0 = arith.constant 0 : i32
    return %arg0, %c0_i32 : i32, i32
  }
  func.func @transform_2(%arg0: i32) -> (i32, i32) {
    %c0_i32 = arith.constant 0 : i32
    %c0_i32_0 = arith.constant 0 : i32
    return %arg0, %c0_i32 : i32, i32
  }
  func.func @transform_3(%arg0: i32) -> (i32, i32) {
    %c0_i32 = arith.constant 0 : i32
    %c0_i32_0 = arith.constant 0 : i32
    %c0_i32_1 = arith.constant 0 : i32
    return %c0_i32, %c0_i32_0 : i32, i32
  }
  func.func @transform_4(%arg0: i32) -> (i32, i32) {
    %c0_i32 = arith.constant 0 : i32
    %c0_i32_0 = arith.constant 0 : i32
    %c0_i32_1 = arith.constant 0 : i32
    return %c0_i32, %c0_i32_0 : i32, i32
  }
  func.func @transform_5(%arg0: i32) -> (i32, i32) {
    %c0_i32 = arith.constant 0 : i32
    %c0_i32_0 = arith.constant 0 : i32
    return %arg0, %c0_i32 : i32, i32
  }
}

</mosaic_0001>

<sc_bundles>
// kernel: kernel.12.cloned.1.call-start
scs
__scs_entry_jumppad:
0x0: {  	(pc) =	sbr.rel $0x88, $3  }
0x1: {  	(tag) =	ssettag $0x0;
	lr =	simm.s32 $0x1  }
0x2: {  	[smem:$0x3F9B] =	sst lr;
	_ =	strace $0xD0000000  }
0x3: {  	_ = 	snop  }
0x4: {  	_ = 	snop  }
0x5: {  	_ = 	snop  }
0x6: {  	_ = 	snop  }
0x7: {  	_ = 	snop  }
__scs_overlays_trampoline_lowered:
0x8: {  	[smem:$0x3FAA] =	sst s0  }
0x9: {  	[smem:$0x3FAB] =	sst s1  }
0xa: {  	[smem:$0x3FAC] =	sst s2  }
0xb: {  	[smem:$0x3FAD] =	sst s3  }
0xc: {  	[smem:$0x3FAE] =	sst s4  }
0xd: {  	[smem:$0x3FAF] =	sst s5  }
0xe: {  	[smem:$0x3FB0] =	sst s6  }
0xf: {  	[smem:$0x3FB1] =	sst s7  }
0x10: {  	[smem:$0x3FB2] =	sst s8  }
0x11: {  	[smem:$0x3FB3] =	sst s9;
	s0 =	simm.s32 @!p0 $0x0  }
0x12: {  	s1 =	sld [smem:$0x3F99];
	s0 =	simm.s32 @p0 $0x1  }
0x13: {  	[smem:$0x3FB4] =	sst s0;
	s0 =	simm.s32 @!p1 $0x0  }
0x14: {  	s2 =	sld [smem:$0x3F98];
	s0 =	simm.s32 @p1 $0x1  }
0x15: {  	[smem:$0x3FB5] =	sst s0;
	s0 =	simm.s32 @!p2 $0x0  }
0x16: {  	s3 =	sld [smem:$0x3FDB];
	s0 =	simm.s32 @p2 $0x1  }
0x17: {  	s4 =	simm.s32 $0x1BF5;
	[smem:$0x3FB7] =	sst s0  }
0x18: {  	s0 =	sld [smem:$0x3F9A];
	_ =	swait.ge [sflag:s4], $0x0  }
0x19: {  	s7 =	sld [smem:$0x3F9B]  }
0x1a: {  	s8 =	sadd.s32 $0xFFFFE003, lr  }
0x1b: {  	s9 =	sadd.s32 $0xFFFFFEF7, lr;
	s5 =	simm.s32 $0xFFFFFFFF;
	p2 =	slt.u32 s8, $0xFFFFF086  }
0x1c: {  	p1 =	slt.u32 s9, $0xF7A;
	s5 =	simm.s32 @!p2 $0x0  }
0x1d: {  	s5 =	simm.s32 @p1 $0x1;
	p0 =	seq.s32 s7, s2  }
0x1e: {  	s7 =	smul.u32 @!p0 $0xF7A, s2;
	p2 =	seq.s32 @!p0 s5, $0x0  }
0x1f: {  	s9 =	smul.u32 $0xF7A, s1;
	s8 =	simm.s32 @!p0 $0x1BF5;
	p2 =	por !p2, p0  }
0x20: {  	[sflag:s8] =	ssyncset.s32 @!p0 $0xFFFFF086;
	s6 =	sadd.s32 @!p0 s3, s7;
	s7 =	simm.s32 @!p0 $0x108  }
0x21: {  	s3 =	sadd.s32 s3, s9;
	s6 =	sadd.s32 @!p0 $0x88, s6;
	s7 =	simm.s32 @p2 $0x1082  }
0x22: {  	[simem:s7], [sflag:s8] =	dma.local @!p0 [hbm:s6], $0xF7A  }
0x23: {  	s9 =	sor.u32 $0xD0000000, s2;
	s6 =	simm.s32 $0x108;
	_ =	swait.ge @!p0 [sflag:s8], $0x0  }
0x24: {  	s3 =	sadd.s32 $0x88, s3;
	s6 =	simm.s32 @!p1 $0x1082;
	[sflag:s4] =	ssyncset.s32 $0xFFFFF086  }
0x25: {  	[simem:s6], [sflag:s4] =	dma.local [hbm:s3], $0xF7A  }
0x26: {  	[smem:$0x3F9B] =	sst s1;
	(tag) =	ssettag s2;
	_ =	strace s9  }
0x27: {  	s1 =	sld [smem:$0x3FAB]  }
0x28: {  	s2 =	sld [smem:$0x3FAC]  }
0x29: {  	s4 =	sld [smem:$0x3FAE]  }
0x2a: {  	p0 =	seq.s32 s5, $0x0;
	s5 =	sld [smem:$0x3FAF]  }
0x2b: {  	s6 =	sld [smem:$0x3FB0]  }
0x2c: {  	s7 =	sld [smem:$0x3FB1]  }
0x2d: {  	s3 =	simm.s32 $0x108;
	s8 =	sld [smem:$0x3FB2]  }
0x2e: {  	s3 =	simm.s32 @!p0 $0x1082;
	s9 =	sld [smem:$0x3FB3]  }
0x2f: {  	lr =	sadd.s32 s0, s3;
	s0 =	sld [smem:$0x3FAA]  }
0x30: {  	s3 =	sld [smem:$0x3FAD]  }
0x31: {  	[smem:$0x3FB6] =	sst s10  }
0x32: {  	s10 =	sld [smem:$0x3FB4];
	_ =	sdelay $0x3  }
0x33: {  	p0 =	seq.s32 s10, $0x1;
	s10 =	sld [smem:$0x3FB6];
	_ =	sdelay $0x3  }
0x34: {  	[smem:$0x3FB6] =	sst s10  }
0x35: {  	s10 =	sld [smem:$0x3FB5];
	_ =	sdelay $0x3  }
0x36: {  	p1 =	seq.s32 s10, $0x1;
	s10 =	sld [smem:$0x3FB6];
	_ =	sdelay $0x3  }
0x37: {  	[smem:$0x3FB6] =	sst s10  }
0x38: {  	s10 =	sld [smem:$0x3FB7]  }
0x39: {  	_ = 	snop;
	(pc) =	sbr.ind lr, $3  }
0x3a: {  	_ = 	snop  }
0x3b: {  	_ = 	snop  }
0x3c: {  	p2 =	seq.s32 s10, $0x1;
	s10 =	sld [smem:$0x3FB6]  }
0x3d: {  	_ =	shalt  }
0x3e: {  	_ =	shalt  }
0x3f: {  	_ =	shalt  }
0x40: {  	_ =	shalt  }
0x41: {  	_ =	shalt  }
0x42: {  	_ =	shalt  }
0x43: {  	_ =	shalt  }
0x44: {  	_ =	shalt  }
0x45: {  	_ =	shalt  }
0x46: {  	_ =	shalt  }
0x47: {  	_ =	shalt  }
0x48: {  	_ =	shalt  }
0x49: {  	_ =	shalt  }
0x4a: {  	_ =	shalt  }
0x4b: {  	_ =	shalt  }
0x4c: {  	_ =	shalt  }
0x4d: {  	_ =	shalt  }
0x4e: {  	_ =	shalt  }
0x4f: {  	_ =	shalt  }
0x50: {  	_ =	shalt  }
0x51: {  	_ =	shalt  }
0x52: {  	_ =	shalt  }
0x53: {  	_ =	shalt  }
0x54: {  	_ =	shalt  }
0x55: {  	_ =	shalt  }
0x56: {  	_ =	shalt  }
0x57: {  	_ =	shalt  }
0x58: {  	_ =	shalt  }
0x59: {  	_ =	shalt  }
0x5a: {  	_ =	shalt  }
0x5b: {  	_ =	shalt  }
0x5c: {  	_ =	shalt  }
0x5d: {  	_ =	shalt  }
0x5e: {  	_ =	shalt  }
0x5f: {  	_ =	shalt  }
0x60: {  	_ =	shalt  }
0x61: {  	_ =	shalt  }
0x62: {  	_ =	shalt  }
0x63: {  	_ =	shalt  }
0x64: {  	_ =	shalt  }
0x65: {  	_ =	shalt  }
0x66: {  	_ =	shalt  }
0x67: {  	_ =	shalt  }
0x68: {  	_ =	shalt  }
0x69: {  	_ =	shalt  }
0x6a: {  	_ =	shalt  }
0x6b: {  	_ =	shalt  }
0x6c: {  	_ =	shalt  }
0x6d: {  	_ =	shalt  }
0x6e: {  	_ =	shalt  }
0x6f: {  	_ =	shalt  }
0x70: {  	_ =	shalt  }
0x71: {  	_ =	shalt  }
0x72: {  	_ =	shalt  }
0x73: {  	_ =	shalt  }
0x74: {  	_ =	shalt  }
0x75: {  	_ =	shalt  }
0x76: {  	_ =	shalt  }
0x77: {  	_ =	shalt  }
0x78: {  	_ =	shalt  }
0x79: {  	_ =	shalt  }
0x7a: {  	_ =	shalt  }
0x7b: {  	_ =	shalt  }
0x7c: {  	_ =	shalt  }
0x7d: {  	_ =	shalt  }
0x7e: {  	_ =	shalt  }
0x7f: {  	_ =	shalt  }
0x80: {  	_ =	shalt  }
0x81: {  	_ =	shalt  }
0x82: {  	_ =	shalt  }
0x83: {  	_ =	shalt  }
0x84: {  	_ =	shalt  }
0x85: {  	_ =	shalt  }
0x86: {  	_ =	shalt  }
0x87: {  	_ =	shalt  }
.Lfunc_end0:
.L_simem_size_0:
called_computation.1_lowered:
.L_overlay_start_0:
0x88: {  	s2 =	sld [smem:$0x3FD9]  }
0x89: {  	s3 =	sld [smem:$0x3FFE];
	_ =	sdelay $0x1  }
0x8a: {  	s1 =	srdreg.scid  }
0x8b: {  	s0 =	sand.u32 $0x1, s1  }
0x8c: {  	s17 =	sshll.u32 s0, $0xA;
	s2 =	sadd.s32 s3, s2  }
0x8d: {  	s2 =	sadd.s32 s2, s17  }
0x8e: {  	[smem:$0x3FC2] =	sst s2  }
0x8f: {  	_ = 	snop  }
0x90: {  	s2 =	sld [smem:$0x3FD0];
	(tm) =	ssettm $0x1  }
0x91: {  	s18 =	sld [smem:$0x3FFB];
	_ =	sdelay $0x3  }
0x92: {  	_ =	strace s18  }
0x93: {  	s3 =	sld [smem:$0x3FFC];
	_ =	sdelay $0x3  }
0x94: {  	_ =	strace s3  }
0x95: {  	s3 =	sld [smem:$0x3FFD];
	_ =	sdelay $0x3  }
0x96: {  	_ =	strace s3  }
0x97: {  	_ =	strace $0x8FFFFFFF  }
0x98: {  	s19 =	sld [smem:$0x3FDB];
	_ =	sdelay $0x1  }
0x99: {  	s4 =	simm.s32 $_scs_section_size  }
0x9a: {  	s5 =	simm.s32 $_size__tile_overlayer_lowered;
	s6 =	simm.s32 $_tile_overlayer_lowered  }
0x9b: {  	s22 =	simm.s32 $0x1BFF;
	s21 =	sshll.u32 s6, $0x1;
	s3 =	sadd.s32 s4, s19  }
0x9c: {  	s7 =	simm.s32 $0x0;
	s20 =	sshll.u32 s5, $0x1;
	s5 =	sadd.s32 s21, s3  }
0x9d: {  	[timem:s7], [sflag:s22] =	dma.local [hbm:s5], s20  }
0x9e: {  	_ =	swait.ge [sflag:s22], s20  }
0x9f: {  	s4 =	ssub.s32 $0x0, s20;
	[sflag:s22] =	ssyncset.done $0x0  }
0xa0: {  	[sflag:s22] =	ssyncadd.s32 s4;
	_ =	sdelay $0x1  }
0xa1: {  	s23 =	simm.s32 $0x1B8B  }
0xa2: {  	_ =	swait.ge [sflag:s23], $0x1  }
0xa3: {  	[sflag:s23] =	ssyncset.done $0x0  }
0xa4: {  	s25 =	simm.s32 $0x1B8E;
	s24 =	sld [smem:$0x3FFE];
	[sflag:s23] =	ssyncadd.s32 $0xFFFFFFFF  }
0xa5: {  	s26 =	simm.s32 $execute0_lowered;
	[smem:$0x3FD2] =	sst s25  }
0xa6: {  	s5 =	sshll.u32 s26, $0x1;
	_ =	strace $0x80000049;
	[dreg:$0x1] =	wrdreg $0xFFFFFFFF  }
0xa7: {  	s28 =	simm.s32 $_size_execute0_lowered;
	s3 =	sadd.s32 s3, s5;
	[dreg:$0x0] =	wrdreg $0x0  }
0xa8: {  	s5 =	sshll.u32 s28, $0x1;
	[dreg:$0x2] =	wrdreg s3  }
0xa9: {  	[dreg:$0x3] =	wrdreg s5  }
0xaa: {  	[dreg:$0x4] =	wrdreg $0xC0  }
0xab: {  	_ =	task [dreg:s7], $0x5FFFF  }
0xac: {  	[dreg:$0x1] =	wrdreg $0xFFFFFFFF  }
0xad: {  	[dreg:$0x0] =	wrdreg $0x60  }
0xae: {  	[dreg:$0x2] =	wrdreg s24  }
0xaf: {  	[dreg:$0x3] =	wrdreg s2  }
0xb0: {  	[dreg:$0x4] =	wrdreg $0x90000  }
0xb1: {  	[dreg:$0x5] =	wrdreg $0x9  }
0xb2: {  	_ =	task.clear_ibuf [dreg:s7], $0x6FFFF;
	_ =	strace $0x90000049  }
0xb3: {  	s29 =	simm.s32 $0x9;
	_ =	strace $0x8000004B  }
0xb4: {  	_ =	swait.ge [sflag:s29], $0x1  }
0xb5: {  	[sflag:s29] =	ssyncadd.s32 $0xFFFFFFFF  }
0xb6: {  	_ =	strace $0x9000004B  }
0xb7: {  	_ =	sfence  }
0xb8: {  	s30 =	sld [smem:$0x0];
	_ =	sdelay $0x2  }
0xb9: {  	s31 =	sshll.u32 s1, $0xD;
	s1 =	sshrl.u32 s1, $0x2  }
0xba: {  	s3 =	sand.u32 $0x4000, s31;
	s1 =	sadd.s32 s1, s30  }
0xbb: {  	s0 =	sor.u32 s3, s0;
	s1 =	sshll.u32 s1, $0x11  }
0xbc: {  	s0 =	sor.u32 s1, s0  }
0xbd: {  	s0 =	sadd.s32 $0x8F2B, s0  }
0xbe: {  	[sflag:s0] =	ssyncadd.remote.s32 $0x1  }
0xbf: {  	_ =	sfence.sel $0xFFFF  }
0xc0: {  	[dreg:$0x0] =	wrdreg $0xFFFFFFFF;
	(pc) =	sbr.abs _section_cstart, $3  }
0xc1: {  	[dreg:$0x1] =	wrdreg $0xFFFFFFFF  }
0xc2: {  	_ =	task.clear_ibuf [dreg:s7], $0x2FFFF;
	_ =	strace $0x9FFFFFFF  }
0xc3: {  	(tm) =	ssettm $0x7FFFFFFF  }
tec
execute0_lowered:
.L_overlay_start_1:
0x0: {  	(tag) =	ssettag $0x1  }
0x1: {  	s5 =	rddreg [dreg:$0x0]  }
0x2: {  	s6 =	rddreg [dreg:$0x1]  }
0x3: {  	s1 =	rddreg [dreg:$0x2];
	s2 =	srdreg.scid  }
0x4: {  	s0 =	rddreg [dreg:$0x3];
	s3 =	simm.s32 $0x0;
	s15 =	simm.s32 $0x2800  }
0x5: {  	s16 =	simm.s32 $0x5000;
	s17 =	simm.s32 $0x80;
	s18 =	simm.s32 $0x1  }
0x6: {  	s21 =	simm.s32 $0x0;
	s7 =	sand.u32 $0x1, s2;
	s2 =	stileid.u32  }
0x7: {  	[smem:$0x7FF] =	sst s3;
	s4 =	sshll.u32 s7, $0x4;
	s8 =	smul.u32 $0x13C000, s7  }
0x8: {  	s10 =	smul.u32 $0x13C00, s2;
	_ =	strace $0x8000004A;
	s7 =	ssub.s32 $0x2, s7  }
0x9: {  	s30 =	smul.u32 $0x4F000, s2;
	s19 =	sshll.u32 s2, $0x6;
	s9 =	sor.u32 s2, s4  }
0xa: {  	s4 =	sadd.s32 $0xC400, s5;
	s12 =	sshrl.u32 s7, $0x1;
	s19 =	sor.u32 $0x1C02, s19  }
0xb: {  	s9 =	smul.u32 $0x500, s9;
	s8 =	sadd.s32 s10, s8;
	s31 =	sshrl.u32 s30, $0x2  }
0xc: {  	s14 =	ssub.s32 s7, s12;
	s8 =	sshrl.u32 s8, $0x3;
	s7 =	sadd.s32 s31, s1  }
0xd: {  	s11 =	sadd.s32 s9, s5;
	s13 =	sadd.s32 s8, s5;
	s5 =	sadd.s32 s6, s9  }
0xe: {  	s8 =	sadd.s32 $0x4000, s7;
	s9 =	sadd.s32 $0x8000, s7;
	s10 =	sadd.s32 $0xC000, s7  }
0xf: {  	s20 =	sshrl.u32 s7, $0x3;
	s6 =	sadd.s32 $0x2400, s11;
	s11 =	sadd.s32 $0x10000, s7  }
0x10: {  	v0 =	vimm.f32 $0.0e+00;
	s12 =	sadd.s32 $0x33C00, s13;
	s13 =	smax.u32 s14, $0x1;
	s14 =	simm.s32 $0x2  }
.LBB2_1:
0x11: {  	[tilespmem:s3], [sflag:$0x2] =	stream.linear.gather [hbm4b:s5+s3], $0x2780, $0x38;
	[tilespmem:$0x1CC00] =	vst v63  }
0x12: {  	_ =	swait.ge [sflag:s14], $0x2780  }
0x13: {  	[sflag:s14] =	ssyncset.done $0x0  }
0x14: {  	[sflag:s14] =	ssyncadd.s32 $0xFFFFD880  }
0x15: {  	[tilespmem:s15], [sflag:$0x2] =	stream.linear.gather [hbm4b:s6+s3], $0x2780, $0x38;
	[tilespmem:$0x1CC00] =	vst v63  }
0x16: {  	_ =	swait.ge [sflag:s14], $0x2780  }
0x17: {  	[sflag:s14] =	ssyncset.done $0x0  }
0x18: {  	s22 =	simm.s32 $0x0;
	s23 =	simm.s32 $0x200;
	[sflag:s14] =	ssyncadd.s32 $0xFFFFD880  }
.LBB2_2:
0x19: {  	p0 =	sne.s32 s23, $0xFE00;
	[tilespmem:s22+$0x5070] =	vst v0  }
0x1a: {  	[tilespmem:s22+$0x5000] =	vst v0  }
0x1b: {  	[tilespmem:s22+$0x5010] =	vst v0  }
.Ltmp0:
0x1c: {  	[tilespmem:s22+$0x5020] =	vst v0;
	(pc) =	sbr.rel @p0 .LBB2_2-.Ltmp0, $4  }
0x1d: {  	[tilespmem:s22+$0x5030] =	vst v0  }
0x1e: {  	[tilespmem:s22+$0x5040] =	vst v0  }
0x1f: {  	[tilespmem:s22+$0x5050] =	vst v0  }
0x20: {  	[tilespmem:s22+$0x5060] =	vst v0;
	s22 =	sshra.s32 s23, $0x2;
	s23 =	sadd.s32 $0x200, s23  }
0x21: {  	[tilespmem:s22+$0x5070] =	vst v0  }
0x22: {  	[tilespmem:s22+$0x5000] =	vst v0  }
0x23: {  	[tilespmem:s22+$0x5010] =	vst v0  }
0x24: {  	[tilespmem:s22+$0x5020] =	vst v0  }
0x25: {  	[tilespmem:s22+$0x5030] =	vst v0  }
0x26: {  	[tilespmem:s22+$0x5040] =	vst v0  }
0x27: {  	[tilespmem:s22+$0x5050] =	vst v0  }
0x28: {  	[tilespmem:s22+$0x5060] =	vst v0  }
0x29: {  	[spmem:s7] =	stream.linear.scatter [tilespmem:s16], [sflag:$0x2], $0x4000, $0x38;
	[tilespmem:$0x1CC00] =	vst v63  }
0x2a: {  	_ =	swait.ge [sflag:s14], $0x4000  }
0x2b: {  	[sflag:s14] =	ssyncset.done $0x0  }
0x2c: {  	[sflag:s14] =	ssyncadd.s32 $0xFFFFC000  }
0x2d: {  	[spmem:s8] =	stream.linear.scatter [tilespmem:s16], [sflag:$0x2], $0x4000, $0x38;
	[tilespmem:$0x1CC00] =	vst v63  }
0x2e: {  	_ =	swait.ge [sflag:s14], $0x4000  }
0x2f: {  	[sflag:s14] =	ssyncset.done $0x0  }
0x30: {  	[sflag:s14] =	ssyncadd.s32 $0xFFFFC000  }
0x31: {  	[spmem:s9] =	stream.linear.scatter [tilespmem:s16], [sflag:$0x2], $0x4000, $0x38;
	[tilespmem:$0x1CC00] =	vst v63  }
0x32: {  	_ =	swait.ge [sflag:s14], $0x4000  }
0x33: {  	[sflag:s14] =	ssyncset.done $0x0  }
0x34: {  	[sflag:s14] =	ssyncadd.s32 $0xFFFFC000  }
0x35: {  	[spmem:s10] =	stream.linear.scatter [tilespmem:s16], [sflag:$0x2], $0x4000, $0x38;
	[tilespmem:$0x1CC00] =	vst v63  }
0x36: {  	_ =	swait.ge [sflag:s14], $0x4000  }
0x37: {  	[sflag:s14] =	ssyncset.done $0x0  }
0x38: {  	[sflag:s14] =	ssyncadd.s32 $0xFFFFC000  }
0x39: {  	[spmem:s11] =	stream.linear.scatter [tilespmem:s16], [sflag:$0x2], $0x3C00, $0x38;
	[tilespmem:$0x1CC00] =	vst v63  }
0x3a: {  	_ =	swait.ge [sflag:s14], $0x3C00  }
0x3b: {  	[sflag:s14] =	ssyncset.done $0x0  }
0x3c: {  	[sflag:s14] =	ssyncadd.s32 $0xFFFFC400  }
0x3d: {  	s30 =	simm.s32 $0x0;
	[bflag:$0x0] =	sbarrier.arrive $0xFFFF  }
0x3e: {  	[tilespmem:s16], [sflag:$0x1] =	stream.indirect.gather [hbm4b:s4+s17], $0x80, s30, s17, $0xb8;
	[tilespmem:$0x1CC00] =	vst v63  }
0x3f: {  	_ =	swait.ge [sflag:s18], $0x4000  }
0x40: {  	[sflag:s18] =	ssyncset.done $0x0  }
0x41: {  	s31 =	simm.s32 $0x2800;
	[sflag:s18] =	ssyncadd.s32 $0xFFFFC000  }
0x42: {  	[spmem:s1] =	stream.indirect.scatter.add.f32 [tilespmem:s16], [sflag:$0x2], $0x80, s31, s17, $0xb8;
	[tilespmem:$0x1CC00] =	vst v63  }
0x43: {  	_ =	swait.ge [sflag:s14], $0x4000  }
0x44: {  	s22 =	simm.s32 $0x200;
	s23 =	simm.s32 $0x400;
	[sflag:s14] =	ssyncset.done $0x0  }
.LBB2_4:
0x45: {  	s24 =	sshra.s32 s22, $0x2  }
0x46: {  	[sflag:s14] =	ssyncadd.s32 $0xFFFFC000;
	s22 =	smov.u32 s23;
	s25 =	sadd.s32 $0x200, s23  }
0x47: {  	[tilespmem:s16], [sflag:$0x1] =	stream.indirect.gather [hbm4b:s4+s17], $0x80, s24, s17, $0xb8;
	[tilespmem:$0x1CC00] =	vst v63  }
0x48: {  	p0 =	sne.s32 s23, $0x9C00;
	_ =	swait.ge [sflag:s18], $0x4000  }
.Ltmp1:
0x49: {  	[sflag:s18] =	ssyncset.done $0x0;
	(pc) =	sbr.rel @p0 .LBB2_4-.Ltmp1, $4  }
0x4a: {  	s23 =	sadd.s32 $0x2800, s24;
	[sflag:s18] =	ssyncadd.s32 $0xFFFFC000  }
0x4b: {  	[spmem:s1] =	stream.indirect.scatter.add.f32 [tilespmem:s16], [sflag:$0x2], $0x80, s23, s17, $0xb8;
	[tilespmem:$0x1CC00] =	vst v63  }
0x4c: {  	_ =	swait.ge [sflag:s14], $0x4000  }
0x4d: {  	s23 =	smov.u32 s25;
	[sflag:s14] =	ssyncset.done $0x0  }
0x4e: {  	s22 =	sshra.s32 s22, $0x2;
	[sflag:s14] =	ssyncadd.s32 $0xFFFFC000  }
0x4f: {  	[tilespmem:s16], [sflag:$0x1] =	stream.indirect.gather [hbm4b:s4+s17], $0x80, s22, s17, $0xb8;
	[tilespmem:$0x1CC00] =	vst v63  }
0x50: {  	_ =	swait.ge [sflag:s18], $0x4000  }
0x51: {  	[sflag:s18] =	ssyncset.done $0x0  }
0x52: {  	s22 =	sadd.s32 $0x2800, s22;
	[sflag:s18] =	ssyncadd.s32 $0xFFFFC000  }
0x53: {  	[spmem:s1] =	stream.indirect.scatter.add.f32 [tilespmem:s16], [sflag:$0x2], $0x80, s22, s17, $0xb8;
	[tilespmem:$0x1CC00] =	vst v63  }
0x54: {  	_ =	swait.ge [sflag:s14], $0x4000  }
0x55: {  	s21 =	sadd.s32 $0x1, s21;
	[sflag:s14] =	ssyncset.done $0x0  }
0x56: {  	p0 =	sne.s32 s21, s13;
	[sflag:s14] =	ssyncadd.s32 $0xFFFFC000  }
.Ltmp2:
0x57: {  	[bflag:$0x0] =	sbarrier.arrive $0xFFFF;
	(pc) =	sbr.rel @p0 .LBB2_1-.Ltmp2, $4  }
0x58: {  	[hbm:s12], [sflag:s19] =	dma.local [spmem:s20], $0x2780  }
0x59: {  	_ =	swait.ge [sflag:s14], $0x2780  }
0x5a: {  	[sflag:s14] =	ssyncset.done $0x0  }
0x5b: {  	[sflag:s14] =	ssyncadd.s32 $0xFFFFD880  }
0x5c: {  	_ =	sfence.sel $0x180000  }
0x5d: {  	[bflag:$0x0] =	sbarrier.arrive $0xFFFF  }
0x5e: {  	p0 =	sne.s32 s2, $0x0;
	_ =	strace $0x9000004A  }
0x5f: {  	s0 =	sadd.s32 @!p0 $0x100000, s0;
	[bflag:$0x2] =	sbarrier.arrive $0xFFFF  }
0x60: {  	[sflag:s0] =	ssyncadd.tile.s32 @!p0 $0x1;
	_ =	shalt  }
.Lfunc_end2:
_tile_overlayer_lowered:
.L_overlay_start_2:
0x61: {  	(tag) =	ssettag $0x2  }
0x62: {  	s0 =	rddreg [dreg:$0x0];
	s2 =	stileid.u32  }
0x63: {  	s1 =	rddreg [dreg:$0x1];
	p0 =	sne.s32 s2, $0x0  }
0x64: {  	s3 =	rddreg [dreg:$0x2];
	[bflag:$0x3] =	sbarrier.arrive $0xFFFF;
	s2 =	simm.s32 @!p0 $0x1C02  }
0x65: {  	[timem:s3], [sflag:s2] =	dma.local @!p0 [hbm:s0], s1  }
0x66: {  	s0 =	simm.s32 @!p0 $0x2  }
0x67: {  	_ =	swait.ge @!p0 [sflag:s0], s1  }
0x68: {  	s1 =	ssub.s32 @!p0 $0x0, s1;
	[sflag:s0] =	ssyncset.done @!p0 $0x0  }
0x69: {  	[sflag:s0] =	ssyncadd.s32 @!p0 s1  }
0x6a: {  	[bflag:$0x3] =	sbarrier.arrive $0xFFFF  }
0x6b: {  	_ =	shalt  }

// kernel: kernel.15.cloned.1.call-start
scs
__scs_entry_jumppad:
0x0: {  	(pc) =	sbr.rel $0x88, $3  }
0x1: {  	(tag) =	ssettag $0x0;
	lr =	simm.s32 $0x1  }
0x2: {  	[smem:$0x3F9B] =	sst lr;
	_ =	strace $0xD0000000  }
0x3: {  	_ = 	snop  }
0x4: {  	_ = 	snop  }
0x5: {  	_ = 	snop  }
0x6: {  	_ = 	snop  }
0x7: {  	_ = 	snop  }
__scs_overlays_trampoline_lowered:
0x8: {  	[smem:$0x3FAA] =	sst s0  }
0x9: {  	[smem:$0x3FAB] =	sst s1  }
0xa: {  	[smem:$0x3FAC] =	sst s2  }
0xb: {  	[smem:$0x3FAD] =	sst s3  }
0xc: {  	[smem:$0x3FAE] =	sst s4  }
0xd: {  	[smem:$0x3FAF] =	sst s5  }
0xe: {  	[smem:$0x3FB0] =	sst s6  }
0xf: {  	[smem:$0x3FB1] =	sst s7  }
0x10: {  	[smem:$0x3FB2] =	sst s8  }
0x11: {  	[smem:$0x3FB3] =	sst s9;
	s0 =	simm.s32 @!p0 $0x0  }
0x12: {  	s1 =	sld [smem:$0x3F99];
	s0 =	simm.s32 @p0 $0x1  }
0x13: {  	[smem:$0x3FB4] =	sst s0;
	s0 =	simm.s32 @!p1 $0x0  }
0x14: {  	s2 =	sld [smem:$0x3F98];
	s0 =	simm.s32 @p1 $0x1  }
0x15: {  	[smem:$0x3FB5] =	sst s0;
	s0 =	simm.s32 @!p2 $0x0  }
0x16: {  	s3 =	sld [smem:$0x3FDB];
	s0 =	simm.s32 @p2 $0x1  }
0x17: {  	s4 =	simm.s32 $0x1BF5;
	[smem:$0x3FB7] =	sst s0  }
0x18: {  	s0 =	sld [smem:$0x3F9A];
	_ =	swait.ge [sflag:s4], $0x0  }
0x19: {  	s7 =	sld [smem:$0x3F9B]  }
0x1a: {  	s8 =	sadd.s32 $0xFFFFE003, lr  }
0x1b: {  	s9 =	sadd.s32 $0xFFFFFEF7, lr;
	s5 =	simm.s32 $0xFFFFFFFF;
	p2 =	slt.u32 s8, $0xFFFFF086  }
0x1c: {  	p1 =	slt.u32 s9, $0xF7A;
	s5 =	simm.s32 @!p2 $0x0  }
0x1d: {  	s5 =	simm.s32 @p1 $0x1;
	p0 =	seq.s32 s7, s2  }
0x1e: {  	s7 =	smul.u32 @!p0 $0xF7A, s2;
	p2 =	seq.s32 @!p0 s5, $0x0  }
0x1f: {  	s9 =	smul.u32 $0xF7A, s1;
	s8 =	simm.s32 @!p0 $0x1BF5;
	p2 =	por !p2, p0  }
0x20: {  	[sflag:s8] =	ssyncset.s32 @!p0 $0xFFFFF086;
	s6 =	sadd.s32 @!p0 s3, s7;
	s7 =	simm.s32 @!p0 $0x108  }
0x21: {  	s3 =	sadd.s32 s3, s9;
	s6 =	sadd.s32 @!p0 $0x88, s6;
	s7 =	simm.s32 @p2 $0x1082  }
0x22: {  	[simem:s7], [sflag:s8] =	dma.local @!p0 [hbm:s6], $0xF7A  }
0x23: {  	s9 =	sor.u32 $0xD0000000, s2;
	s6 =	simm.s32 $0x108;
	_ =	swait.ge @!p0 [sflag:s8], $0x0  }
0x24: {  	s3 =	sadd.s32 $0x88, s3;
	s6 =	simm.s32 @!p1 $0x1082;
	[sflag:s4] =	ssyncset.s32 $0xFFFFF086  }
0x25: {  	[simem:s6], [sflag:s4] =	dma.local [hbm:s3], $0xF7A  }
0x26: {  	[smem:$0x3F9B] =	sst s1;
	(tag) =	ssettag s2;
	_ =	strace s9  }
0x27: {  	s1 =	sld [smem:$0x3FAB]  }
0x28: {  	s2 =	sld [smem:$0x3FAC]  }
0x29: {  	s4 =	sld [smem:$0x3FAE]  }
0x2a: {  	p0 =	seq.s32 s5, $0x0;
	s5 =	sld [smem:$0x3FAF]  }
0x2b: {  	s6 =	sld [smem:$0x3FB0]  }
0x2c: {  	s7 =	sld [smem:$0x3FB1]  }
0x2d: {  	s3 =	simm.s32 $0x108;
	s8 =	sld [smem:$0x3FB2]  }
0x2e: {  	s3 =	simm.s32 @!p0 $0x1082;
	s9 =	sld [smem:$0x3FB3]  }
0x2f: {  	lr =	sadd.s32 s0, s3;
	s0 =	sld [smem:$0x3FAA]  }
0x30: {  	s3 =	sld [smem:$0x3FAD]  }
0x31: {  	[smem:$0x3FB6] =	sst s10  }
0x32: {  	s10 =	sld [smem:$0x3FB4];
	_ =	sdelay $0x3  }
0x33: {  	p0 =	seq.s32 s10, $0x1;
	s10 =	sld [smem:$0x3FB6];
	_ =	sdelay $0x3  }
0x34: {  	[smem:$0x3FB6] =	sst s10  }
0x35: {  	s10 =	sld [smem:$0x3FB5];
	_ =	sdelay $0x3  }
0x36: {  	p1 =	seq.s32 s10, $0x1;
	s10 =	sld [smem:$0x3FB6];
	_ =	sdelay $0x3  }
0x37: {  	[smem:$0x3FB6] =	sst s10  }
0x38: {  	s10 =	sld [smem:$0x3FB7]  }
0x39: {  	_ = 	snop;
	(pc) =	sbr.ind lr, $3  }
0x3a: {  	_ = 	snop  }
0x3b: {  	_ = 	snop  }
0x3c: {  	p2 =	seq.s32 s10, $0x1;
	s10 =	sld [smem:$0x3FB6]  }
0x3d: {  	_ =	shalt  }
0x3e: {  	_ =	shalt  }
0x3f: {  	_ =	shalt  }
0x40: {  	_ =	shalt  }
0x41: {  	_ =	shalt  }
0x42: {  	_ =	shalt  }
0x43: {  	_ =	shalt  }
0x44: {  	_ =	shalt  }
0x45: {  	_ =	shalt  }
0x46: {  	_ =	shalt  }
0x47: {  	_ =	shalt  }
0x48: {  	_ =	shalt  }
0x49: {  	_ =	shalt  }
0x4a: {  	_ =	shalt  }
0x4b: {  	_ =	shalt  }
0x4c: {  	_ =	shalt  }
0x4d: {  	_ =	shalt  }
0x4e: {  	_ =	shalt  }
0x4f: {  	_ =	shalt  }
0x50: {  	_ =	shalt  }
0x51: {  	_ =	shalt  }
0x52: {  	_ =	shalt  }
0x53: {  	_ =	shalt  }
0x54: {  	_ =	shalt  }
0x55: {  	_ =	shalt  }
0x56: {  	_ =	shalt  }
0x57: {  	_ =	shalt  }
0x58: {  	_ =	shalt  }
0x59: {  	_ =	shalt  }
0x5a: {  	_ =	shalt  }
0x5b: {  	_ =	shalt  }
0x5c: {  	_ =	shalt  }
0x5d: {  	_ =	shalt  }
0x5e: {  	_ =	shalt  }
0x5f: {  	_ =	shalt  }
0x60: {  	_ =	shalt  }
0x61: {  	_ =	shalt  }
0x62: {  	_ =	shalt  }
0x63: {  	_ =	shalt  }
0x64: {  	_ =	shalt  }
0x65: {  	_ =	shalt  }
0x66: {  	_ =	shalt  }
0x67: {  	_ =	shalt  }
0x68: {  	_ =	shalt  }
0x69: {  	_ =	shalt  }
0x6a: {  	_ =	shalt  }
0x6b: {  	_ =	shalt  }
0x6c: {  	_ =	shalt  }
0x6d: {  	_ =	shalt  }
0x6e: {  	_ =	shalt  }
0x6f: {  	_ =	shalt  }
0x70: {  	_ =	shalt  }
0x71: {  	_ =	shalt  }
0x72: {  	_ =	shalt  }
0x73: {  	_ =	shalt  }
0x74: {  	_ =	shalt  }
0x75: {  	_ =	shalt  }
0x76: {  	_ =	shalt  }
0x77: {  	_ =	shalt  }
0x78: {  	_ =	shalt  }
0x79: {  	_ =	shalt  }
0x7a: {  	_ =	shalt  }
0x7b: {  	_ =	shalt  }
0x7c: {  	_ =	shalt  }
0x7d: {  	_ =	shalt  }
0x7e: {  	_ =	shalt  }
0x7f: {  	_ =	shalt  }
0x80: {  	_ =	shalt  }
0x81: {  	_ =	shalt  }
0x82: {  	_ =	shalt  }
0x83: {  	_ =	shalt  }
0x84: {  	_ =	shalt  }
0x85: {  	_ =	shalt  }
0x86: {  	_ =	shalt  }
0x87: {  	_ =	shalt  }
.Lfunc_end0:
.L_simem_size_0:
called_computation.2_lowered:
.L_overlay_start_0:
0x88: {  	s2 =	sld [smem:$0x3FD9]  }
0x89: {  	s3 =	sld [smem:$0x3FFE];
	_ =	sdelay $0x1  }
0x8a: {  	s1 =	srdreg.scid  }
0x8b: {  	s0 =	sand.u32 $0x1, s1  }
0x8c: {  	s17 =	sshll.u32 s0, $0xA;
	s2 =	sadd.s32 s3, s2  }
0x8d: {  	s2 =	sadd.s32 s2, s17  }
0x8e: {  	[smem:$0x3FC2] =	sst s2  }
0x8f: {  	_ = 	snop  }
0x90: {  	s2 =	sld [smem:$0x3FD0];
	(tm) =	ssettm $0x1  }
0x91: {  	s18 =	sld [smem:$0x3FFB];
	_ =	sdelay $0x3  }
0x92: {  	_ =	strace s18  }
0x93: {  	s3 =	sld [smem:$0x3FFC];
	_ =	sdelay $0x3  }
0x94: {  	_ =	strace s3  }
0x95: {  	s3 =	sld [smem:$0x3FFD];
	_ =	sdelay $0x3  }
0x96: {  	_ =	strace s3  }
0x97: {  	_ =	strace $0x8FFFFFFF  }
0x98: {  	s19 =	sld [smem:$0x3FDB];
	_ =	sdelay $0x1  }
0x99: {  	s4 =	simm.s32 $_scs_section_size  }
0x9a: {  	s5 =	simm.s32 $_size__tile_overlayer_lowered;
	s6 =	simm.s32 $_tile_overlayer_lowered  }
0x9b: {  	s22 =	simm.s32 $0x1BFF;
	s21 =	sshll.u32 s6, $0x1;
	s3 =	sadd.s32 s4, s19  }
0x9c: {  	s7 =	simm.s32 $0x0;
	s20 =	sshll.u32 s5, $0x1;
	s5 =	sadd.s32 s21, s3  }
0x9d: {  	[timem:s7], [sflag:s22] =	dma.local [hbm:s5], s20  }
0x9e: {  	_ =	swait.ge [sflag:s22], s20  }
0x9f: {  	s4 =	ssub.s32 $0x0, s20;
	[sflag:s22] =	ssyncset.done $0x0  }
0xa0: {  	[sflag:s22] =	ssyncadd.s32 s4;
	_ =	sdelay $0x1  }
0xa1: {  	s23 =	simm.s32 $0x1B8B  }
0xa2: {  	_ =	swait.ge [sflag:s23], $0x1  }
0xa3: {  	[sflag:s23] =	ssyncset.done $0x0  }
0xa4: {  	s25 =	simm.s32 $0x1B8E;
	s24 =	sld [smem:$0x3FFE];
	[sflag:s23] =	ssyncadd.s32 $0xFFFFFFFF  }
0xa5: {  	s26 =	simm.s32 $execute0_lowered;
	[smem:$0x3FD2] =	sst s25  }
0xa6: {  	s5 =	sshll.u32 s26, $0x1;
	_ =	strace $0x8000004C;
	[dreg:$0x1] =	wrdreg $0xFFFFFFFF  }
0xa7: {  	s28 =	simm.s32 $_size_execute0_lowered;
	s3 =	sadd.s32 s3, s5;
	[dreg:$0x0] =	wrdreg $0x0  }
0xa8: {  	s5 =	sshll.u32 s28, $0x1;
	[dreg:$0x2] =	wrdreg s3  }
0xa9: {  	[dreg:$0x3] =	wrdreg s5  }
0xaa: {  	[dreg:$0x4] =	wrdreg $0xC0  }
0xab: {  	_ =	task [dreg:s7], $0x5FFFF  }
0xac: {  	[dreg:$0x1] =	wrdreg $0xFFFFFFFF  }
0xad: {  	[dreg:$0x0] =	wrdreg $0x60  }
0xae: {  	[dreg:$0x2] =	wrdreg s24  }
0xaf: {  	[dreg:$0x3] =	wrdreg s2  }
0xb0: {  	[dreg:$0x4] =	wrdreg $0x90000  }
0xb1: {  	[dreg:$0x5] =	wrdreg $0x9  }
0xb2: {  	_ =	task.clear_ibuf [dreg:s7], $0x6FFFF;
	_ =	strace $0x9000004C  }
0xb3: {  	s29 =	simm.s32 $0x9;
	_ =	strace $0x8000004E  }
0xb4: {  	_ =	swait.ge [sflag:s29], $0x1  }
0xb5: {  	[sflag:s29] =	ssyncadd.s32 $0xFFFFFFFF  }
0xb6: {  	_ =	strace $0x9000004E  }
0xb7: {  	_ =	sfence  }
0xb8: {  	s30 =	sld [smem:$0x0];
	_ =	sdelay $0x2  }
0xb9: {  	s31 =	sshll.u32 s1, $0xD;
	s1 =	sshrl.u32 s1, $0x2  }
0xba: {  	s3 =	sand.u32 $0x4000, s31;
	s1 =	sadd.s32 s1, s30  }
0xbb: {  	s0 =	sor.u32 s3, s0;
	s1 =	sshll.u32 s1, $0x11  }
0xbc: {  	s0 =	sor.u32 s1, s0  }
0xbd: {  	s0 =	sadd.s32 $0x8F2B, s0  }
0xbe: {  	[sflag:s0] =	ssyncadd.remote.s32 $0x1  }
0xbf: {  	_ =	sfence.sel $0xFFFF  }
0xc0: {  	[dreg:$0x0] =	wrdreg $0xFFFFFFFF;
	(pc) =	sbr.abs _section_cstart, $3  }
0xc1: {  	[dreg:$0x1] =	wrdreg $0xFFFFFFFF  }
0xc2: {  	_ =	task.clear_ibuf [dreg:s7], $0x2FFFF;
	_ =	strace $0x9FFFFFFF  }
0xc3: {  	(tm) =	ssettm $0x7FFFFFFF  }
tec
execute0_lowered:
.L_overlay_start_1:
0x0: {  	(tag) =	ssettag $0x1  }
0x1: {  	s5 =	rddreg [dreg:$0x0]  }
0x2: {  	s6 =	rddreg [dreg:$0x1]  }
0x3: {  	s1 =	rddreg [dreg:$0x2];
	s2 =	srdreg.scid  }
0x4: {  	s0 =	rddreg [dreg:$0x3];
	s3 =	simm.s32 $0x0;
	s15 =	simm.s32 $0x2800  }
0x5: {  	s16 =	simm.s32 $0x5000;
	s17 =	simm.s32 $0x80;
	s18 =	simm.s32 $0x1  }
0x6: {  	s21 =	simm.s32 $0x0;
	s7 =	sand.u32 $0x1, s2;
	s2 =	stileid.u32  }
0x7: {  	[smem:$0x7FF] =	sst s3;
	s4 =	sshll.u32 s7, $0x4;
	s8 =	smul.u32 $0x13C000, s7  }
0x8: {  	s10 =	smul.u32 $0x13C00, s2;
	_ =	strace $0x8000004D;
	s7 =	ssub.s32 $0x2, s7  }
0x9: {  	s30 =	smul.u32 $0x4F000, s2;
	s19 =	sshll.u32 s2, $0x6;
	s9 =	sor.u32 s2, s4  }
0xa: {  	s4 =	sadd.s32 $0xC400, s5;
	s12 =	sshrl.u32 s7, $0x1;
	s19 =	sor.u32 $0x1C02, s19  }
0xb: {  	s9 =	smul.u32 $0x500, s9;
	s8 =	sadd.s32 s10, s8;
	s31 =	sshrl.u32 s30, $0x2  }
0xc: {  	s14 =	ssub.s32 s7, s12;
	s8 =	sshrl.u32 s8, $0x3;
	s7 =	sadd.s32 s31, s1  }
0xd: {  	s11 =	sadd.s32 s9, s5;
	s13 =	sadd.s32 s8, s5;
	s5 =	sadd.s32 s6, s9  }
0xe: {  	s8 =	sadd.s32 $0x4000, s7;
	s9 =	sadd.s32 $0x8000, s7;
	s10 =	sadd.s32 $0xC000, s7  }
0xf: {  	s20 =	sshrl.u32 s7, $0x3;
	s6 =	sadd.s32 $0x2400, s11;
	s11 =	sadd.s32 $0x10000, s7  }
0x10: {  	v0 =	vimm.f32 $0.0e+00;
	s12 =	sadd.s32 $0x33C00, s13;
	s13 =	smax.u32 s14, $0x1;
	s14 =	simm.s32 $0x2  }
.LBB2_1:
0x11: {  	[tilespmem:s3], [sflag:$0x2] =	stream.linear.gather [hbm4b:s5+s3], $0x2780, $0x38;
	[tilespmem:$0x1CC00] =	vst v63  }
0x12: {  	_ =	swait.ge [sflag:s14], $0x2780  }
0x13: {  	[sflag:s14] =	ssyncset.done $0x0  }
0x14: {  	[sflag:s14] =	ssyncadd.s32 $0xFFFFD880  }
0x15: {  	[tilespmem:s15], [sflag:$0x2] =	stream.linear.gather [hbm4b:s6+s3], $0x2780, $0x38;
	[tilespmem:$0x1CC00] =	vst v63  }
0x16: {  	_ =	swait.ge [sflag:s14], $0x2780  }
0x17: {  	[sflag:s14] =	ssyncset.done $0x0  }
0x18: {  	s22 =	simm.s32 $0x0;
	s23 =	simm.s32 $0x200;
	[sflag:s14] =	ssyncadd.s32 $0xFFFFD880  }
.LBB2_2:
0x19: {  	p0 =	sne.s32 s23, $0xFE00;
	[tilespmem:s22+$0x5070] =	vst v0  }
0x1a: {  	[tilespmem:s22+$0x5000] =	vst v0  }
0x1b: {  	[tilespmem:s22+$0x5010] =	vst v0  }
.Ltmp0:
0x1c: {  	[tilespmem:s22+$0x5020] =	vst v0;
	(pc) =	sbr.rel @p0 .LBB2_2-.Ltmp0, $4  }
0x1d: {  	[tilespmem:s22+$0x5030] =	vst v0  }
0x1e: {  	[tilespmem:s22+$0x5040] =	vst v0  }
0x1f: {  	[tilespmem:s22+$0x5050] =	vst v0  }
0x20: {  	[tilespmem:s22+$0x5060] =	vst v0;
	s22 =	sshra.s32 s23, $0x2;
	s23 =	sadd.s32 $0x200, s23  }
0x21: {  	[tilespmem:s22+$0x5070] =	vst v0  }
0x22: {  	[tilespmem:s22+$0x5000] =	vst v0  }
0x23: {  	[tilespmem:s22+$0x5010] =	vst v0  }
0x24: {  	[tilespmem:s22+$0x5020] =	vst v0  }
0x25: {  	[tilespmem:s22+$0x5030] =	vst v0  }
0x26: {  	[tilespmem:s22+$0x5040] =	vst v0  }
0x27: {  	[tilespmem:s22+$0x5050] =	vst v0  }
0x28: {  	[tilespmem:s22+$0x5060] =	vst v0  }
0x29: {  	[spmem:s7] =	stream.linear.scatter [tilespmem:s16], [sflag:$0x2], $0x4000, $0x38;
	[tilespmem:$0x1CC00] =	vst v63  }
0x2a: {  	_ =	swait.ge [sflag:s14], $0x4000  }
0x2b: {  	[sflag:s14] =	ssyncset.done $0x0  }
0x2c: {  	[sflag:s14] =	ssyncadd.s32 $0xFFFFC000  }
0x2d: {  	[spmem:s8] =	stream.linear.scatter [tilespmem:s16], [sflag:$0x2], $0x4000, $0x38;
	[tilespmem:$0x1CC00] =	vst v63  }
0x2e: {  	_ =	swait.ge [sflag:s14], $0x4000  }
0x2f: {  	[sflag:s14] =	ssyncset.done $0x0  }
0x30: {  	[sflag:s14] =	ssyncadd.s32 $0xFFFFC000  }
0x31: {  	[spmem:s9] =	stream.linear.scatter [tilespmem:s16], [sflag:$0x2], $0x4000, $0x38;
	[tilespmem:$0x1CC00] =	vst v63  }
0x32: {  	_ =	swait.ge [sflag:s14], $0x4000  }
0x33: {  	[sflag:s14] =	ssyncset.done $0x0  }
0x34: {  	[sflag:s14] =	ssyncadd.s32 $0xFFFFC000  }
0x35: {  	[spmem:s10] =	stream.linear.scatter [tilespmem:s16], [sflag:$0x2], $0x4000, $0x38;
	[tilespmem:$0x1CC00] =	vst v63  }
0x36: {  	_ =	swait.ge [sflag:s14], $0x4000  }
0x37: {  	[sflag:s14] =	ssyncset.done $0x0  }
0x38: {  	[sflag:s14] =	ssyncadd.s32 $0xFFFFC000  }
0x39: {  	[spmem:s11] =	stream.linear.scatter [tilespmem:s16], [sflag:$0x2], $0x3C00, $0x38;
	[tilespmem:$0x1CC00] =	vst v63  }
0x3a: {  	_ =	swait.ge [sflag:s14], $0x3C00  }
0x3b: {  	[sflag:s14] =	ssyncset.done $0x0  }
0x3c: {  	[sflag:s14] =	ssyncadd.s32 $0xFFFFC400  }
0x3d: {  	s30 =	simm.s32 $0x0;
	[bflag:$0x0] =	sbarrier.arrive $0xFFFF  }
0x3e: {  	[tilespmem:s16], [sflag:$0x1] =	stream.indirect.gather [hbm4b:s4+s17], $0x80, s30, s17, $0xb8;
	[tilespmem:$0x1CC00] =	vst v63  }
0x3f: {  	_ =	swait.ge [sflag:s18], $0x4000  }
0x40: {  	[sflag:s18] =	ssyncset.done $0x0  }
0x41: {  	s31 =	simm.s32 $0x2800;
	[sflag:s18] =	ssyncadd.s32 $0xFFFFC000  }
0x42: {  	[spmem:s1] =	stream.indirect.scatter.add.f32 [tilespmem:s16], [sflag:$0x2], $0x80, s31, s17, $0xb8;
	[tilespmem:$0x1CC00] =	vst v63  }
0x43: {  	_ =	swait.ge [sflag:s14], $0x4000  }
0x44: {  	s22 =	simm.s32 $0x200;
	s23 =	simm.s32 $0x400;
	[sflag:s14] =	ssyncset.done $0x0  }
.LBB2_4:
0x45: {  	s24 =	sshra.s32 s22, $0x2  }
0x46: {  	[sflag:s14] =	ssyncadd.s32 $0xFFFFC000;
	s22 =	smov.u32 s23;
	s25 =	sadd.s32 $0x200, s23  }
0x47: {  	[tilespmem:s16], [sflag:$0x1] =	stream.indirect.gather [hbm4b:s4+s17], $0x80, s24, s17, $0xb8;
	[tilespmem:$0x1CC00] =	vst v63  }
0x48: {  	p0 =	sne.s32 s23, $0x9C00;
	_ =	swait.ge [sflag:s18], $0x4000  }
.Ltmp1:
0x49: {  	[sflag:s18] =	ssyncset.done $0x0;
	(pc) =	sbr.rel @p0 .LBB2_4-.Ltmp1, $4  }
0x4a: {  	s23 =	sadd.s32 $0x2800, s24;
	[sflag:s18] =	ssyncadd.s32 $0xFFFFC000  }
0x4b: {  	[spmem:s1] =	stream.indirect.scatter.add.f32 [tilespmem:s16], [sflag:$0x2], $0x80, s23, s17, $0xb8;
	[tilespmem:$0x1CC00] =	vst v63  }
0x4c: {  	_ =	swait.ge [sflag:s14], $0x4000  }
0x4d: {  	s23 =	smov.u32 s25;
	[sflag:s14] =	ssyncset.done $0x0  }
0x4e: {  	s22 =	sshra.s32 s22, $0x2;
	[sflag:s14] =	ssyncadd.s32 $0xFFFFC000  }
0x4f: {  	[tilespmem:s16], [sflag:$0x1] =	stream.indirect.gather [hbm4b:s4+s17], $0x80, s22, s17, $0xb8;
	[tilespmem:$0x1CC00] =	vst v63  }
0x50: {  	_ =	swait.ge [sflag:s18], $0x4000  }
0x51: {  	[sflag:s18] =	ssyncset.done $0x0  }
0x52: {  	s22 =	sadd.s32 $0x2800, s22;
	[sflag:s18] =	ssyncadd.s32 $0xFFFFC000  }
0x53: {  	[spmem:s1] =	stream.indirect.scatter.add.f32 [tilespmem:s16], [sflag:$0x2], $0x80, s22, s17, $0xb8;
	[tilespmem:$0x1CC00] =	vst v63  }
0x54: {  	_ =	swait.ge [sflag:s14], $0x4000  }
0x55: {  	s21 =	sadd.s32 $0x1, s21;
	[sflag:s14] =	ssyncset.done $0x0  }
0x56: {  	p0 =	sne.s32 s21, s13;
	[sflag:s14] =	ssyncadd.s32 $0xFFFFC000  }
.Ltmp2:
0x57: {  	[bflag:$0x0] =	sbarrier.arrive $0xFFFF;
	(pc) =	sbr.rel @p0 .LBB2_1-.Ltmp2, $4  }
0x58: {  	[hbm:s12], [sflag:s19] =	dma.local [spmem:s20], $0x2780  }
0x59: {  	_ =	swait.ge [sflag:s14], $0x2780  }
0x5a: {  	[sflag:s14] =	ssyncset.done $0x0  }
0x5b: {  	[sflag:s14] =	ssyncadd.s32 $0xFFFFD880  }
0x5c: {  	_ =	sfence.sel $0x180000  }
0x5d: {  	[bflag:$0x0] =	sbarrier.arrive $0xFFFF  }
0x5e: {  	p0 =	sne.s32 s2, $0x0;
	_ =	strace $0x9000004D  }
0x5f: {  	s0 =	sadd.s32 @!p0 $0x100000, s0;
	[bflag:$0x2] =	sbarrier.arrive $0xFFFF  }
0x60: {  	[sflag:s0] =	ssyncadd.tile.s32 @!p0 $0x1;
	_ =	shalt  }
.Lfunc_end2:
_tile_overlayer_lowered:
.L_overlay_start_2:
0x61: {  	(tag) =	ssettag $0x2  }
0x62: {  	s0 =	rddreg [dreg:$0x0];
	s2 =	stileid.u32  }
0x63: {  	s1 =	rddreg [dreg:$0x1];
	p0 =	sne.s32 s2, $0x0  }
0x64: {  	s3 =	rddreg [dreg:$0x2];
	[bflag:$0x3] =	sbarrier.arrive $0xFFFF;
	s2 =	simm.s32 @!p0 $0x1C02  }
0x65: {  	[timem:s3], [sflag:s2] =	dma.local @!p0 [hbm:s0], s1  }
0x66: {  	s0 =	simm.s32 @!p0 $0x2  }
0x67: {  	_ =	swait.ge @!p0 [sflag:s0], s1  }
0x68: {  	s1 =	ssub.s32 @!p0 $0x0, s1;
	[sflag:s0] =	ssyncset.done @!p0 $0x0  }
0x69: {  	[sflag:s0] =	ssyncadd.s32 @!p0 s1  }
0x6a: {  	[bflag:$0x3] =	sbarrier.arrive $0xFFFF  }
0x6b: {  	_ =	shalt  }

// kernel: kernel.9.cloned.1.call-start
scs
__scs_entry_jumppad:
0x0: {  	(pc) =	sbr.rel $0x88, $3  }
0x1: {  	(tag) =	ssettag $0x0;
	lr =	simm.s32 $0x1  }
0x2: {  	[smem:$0x3F9B] =	sst lr;
	_ =	strace $0xD0000000  }
0x3: {  	_ = 	snop  }
0x4: {  	_ = 	snop  }
0x5: {  	_ = 	snop  }
0x6: {  	_ = 	snop  }
0x7: {  	_ = 	snop  }
__scs_overlays_trampoline_lowered:
0x8: {  	[smem:$0x3FAA] =	sst s0  }
0x9: {  	[smem:$0x3FAB] =	sst s1  }
0xa: {  	[smem:$0x3FAC] =	sst s2  }
0xb: {  	[smem:$0x3FAD] =	sst s3  }
0xc: {  	[smem:$0x3FAE] =	sst s4  }
0xd: {  	[smem:$0x3FAF] =	sst s5  }
0xe: {  	[smem:$0x3FB0] =	sst s6  }
0xf: {  	[smem:$0x3FB1] =	sst s7  }
0x10: {  	[smem:$0x3FB2] =	sst s8  }
0x11: {  	[smem:$0x3FB3] =	sst s9;
	s0 =	simm.s32 @!p0 $0x0  }
0x12: {  	s1 =	sld [smem:$0x3F99];
	s0 =	simm.s32 @p0 $0x1  }
0x13: {  	[smem:$0x3FB4] =	sst s0;
	s0 =	simm.s32 @!p1 $0x0  }
0x14: {  	s2 =	sld [smem:$0x3F98];
	s0 =	simm.s32 @p1 $0x1  }
0x15: {  	[smem:$0x3FB5] =	sst s0;
	s0 =	simm.s32 @!p2 $0x0  }
0x16: {  	s3 =	sld [smem:$0x3FDB];
	s0 =	simm.s32 @p2 $0x1  }
0x17: {  	s4 =	simm.s32 $0x1BF5;
	[smem:$0x3FB7] =	sst s0  }
0x18: {  	s0 =	sld [smem:$0x3F9A];
	_ =	swait.ge [sflag:s4], $0x0  }
0x19: {  	s7 =	sld [smem:$0x3F9B]  }
0x1a: {  	s8 =	sadd.s32 $0xFFFFE003, lr  }
0x1b: {  	s9 =	sadd.s32 $0xFFFFFEF7, lr;
	s5 =	simm.s32 $0xFFFFFFFF;
	p2 =	slt.u32 s8, $0xFFFFF086  }
0x1c: {  	p1 =	slt.u32 s9, $0xF7A;
	s5 =	simm.s32 @!p2 $0x0  }
0x1d: {  	s5 =	simm.s32 @p1 $0x1;
	p0 =	seq.s32 s7, s2  }
0x1e: {  	s7 =	smul.u32 @!p0 $0xF7A, s2;
	p2 =	seq.s32 @!p0 s5, $0x0  }
0x1f: {  	s9 =	smul.u32 $0xF7A, s1;
	s8 =	simm.s32 @!p0 $0x1BF5;
	p2 =	por !p2, p0  }
0x20: {  	[sflag:s8] =	ssyncset.s32 @!p0 $0xFFFFF086;
	s6 =	sadd.s32 @!p0 s3, s7;
	s7 =	simm.s32 @!p0 $0x108  }
0x21: {  	s3 =	sadd.s32 s3, s9;
	s6 =	sadd.s32 @!p0 $0x88, s6;
	s7 =	simm.s32 @p2 $0x1082  }
0x22: {  	[simem:s7], [sflag:s8] =	dma.local @!p0 [hbm:s6], $0xF7A  }
0x23: {  	s9 =	sor.u32 $0xD0000000, s2;
	s6 =	simm.s32 $0x108;
	_ =	swait.ge @!p0 [sflag:s8], $0x0  }
0x24: {  	s3 =	sadd.s32 $0x88, s3;
	s6 =	simm.s32 @!p1 $0x1082;
	[sflag:s4] =	ssyncset.s32 $0xFFFFF086  }
0x25: {  	[simem:s6], [sflag:s4] =	dma.local [hbm:s3], $0xF7A  }
0x26: {  	[smem:$0x3F9B] =	sst s1;
	(tag) =	ssettag s2;
	_ =	strace s9  }
0x27: {  	s1 =	sld [smem:$0x3FAB]  }
0x28: {  	s2 =	sld [smem:$0x3FAC]  }
0x29: {  	s4 =	sld [smem:$0x3FAE]  }
0x2a: {  	p0 =	seq.s32 s5, $0x0;
	s5 =	sld [smem:$0x3FAF]  }
0x2b: {  	s6 =	sld [smem:$0x3FB0]  }
0x2c: {  	s7 =	sld [smem:$0x3FB1]  }
0x2d: {  	s3 =	simm.s32 $0x108;
	s8 =	sld [smem:$0x3FB2]  }
0x2e: {  	s3 =	simm.s32 @!p0 $0x1082;
	s9 =	sld [smem:$0x3FB3]  }
0x2f: {  	lr =	sadd.s32 s0, s3;
	s0 =	sld [smem:$0x3FAA]  }
0x30: {  	s3 =	sld [smem:$0x3FAD]  }
0x31: {  	[smem:$0x3FB6] =	sst s10  }
0x32: {  	s10 =	sld [smem:$0x3FB4];
	_ =	sdelay $0x3  }
0x33: {  	p0 =	seq.s32 s10, $0x1;
	s10 =	sld [smem:$0x3FB6];
	_ =	sdelay $0x3  }
0x34: {  	[smem:$0x3FB6] =	sst s10  }
0x35: {  	s10 =	sld [smem:$0x3FB5];
	_ =	sdelay $0x3  }
0x36: {  	p1 =	seq.s32 s10, $0x1;
	s10 =	sld [smem:$0x3FB6];
	_ =	sdelay $0x3  }
0x37: {  	[smem:$0x3FB6] =	sst s10  }
0x38: {  	s10 =	sld [smem:$0x3FB7]  }
0x39: {  	_ = 	snop;
	(pc) =	sbr.ind lr, $3  }
0x3a: {  	_ = 	snop  }
0x3b: {  	_ = 	snop  }
0x3c: {  	p2 =	seq.s32 s10, $0x1;
	s10 =	sld [smem:$0x3FB6]  }
0x3d: {  	_ =	shalt  }
0x3e: {  	_ =	shalt  }
0x3f: {  	_ =	shalt  }
0x40: {  	_ =	shalt  }
0x41: {  	_ =	shalt  }
0x42: {  	_ =	shalt  }
0x43: {  	_ =	shalt  }
0x44: {  	_ =	shalt  }
0x45: {  	_ =	shalt  }
0x46: {  	_ =	shalt  }
0x47: {  	_ =	shalt  }
0x48: {  	_ =	shalt  }
0x49: {  	_ =	shalt  }
0x4a: {  	_ =	shalt  }
0x4b: {  	_ =	shalt  }
0x4c: {  	_ =	shalt  }
0x4d: {  	_ =	shalt  }
0x4e: {  	_ =	shalt  }
0x4f: {  	_ =	shalt  }
0x50: {  	_ =	shalt  }
0x51: {  	_ =	shalt  }
0x52: {  	_ =	shalt  }
0x53: {  	_ =	shalt  }
0x54: {  	_ =	shalt  }
0x55: {  	_ =	shalt  }
0x56: {  	_ =	shalt  }
0x57: {  	_ =	shalt  }
0x58: {  	_ =	shalt  }
0x59: {  	_ =	shalt  }
0x5a: {  	_ =	shalt  }
0x5b: {  	_ =	shalt  }
0x5c: {  	_ =	shalt  }
0x5d: {  	_ =	shalt  }
0x5e: {  	_ =	shalt  }
0x5f: {  	_ =	shalt  }
0x60: {  	_ =	shalt  }
0x61: {  	_ =	shalt  }
0x62: {  	_ =	shalt  }
0x63: {  	_ =	shalt  }
0x64: {  	_ =	shalt  }
0x65: {  	_ =	shalt  }
0x66: {  	_ =	shalt  }
0x67: {  	_ =	shalt  }
0x68: {  	_ =	shalt  }
0x69: {  	_ =	shalt  }
0x6a: {  	_ =	shalt  }
0x6b: {  	_ =	shalt  }
0x6c: {  	_ =	shalt  }
0x6d: {  	_ =	shalt  }
0x6e: {  	_ =	shalt  }
0x6f: {  	_ =	shalt  }
0x70: {  	_ =	shalt  }
0x71: {  	_ =	shalt  }
0x72: {  	_ =	shalt  }
0x73: {  	_ =	shalt  }
0x74: {  	_ =	shalt  }
0x75: {  	_ =	shalt  }
0x76: {  	_ =	shalt  }
0x77: {  	_ =	shalt  }
0x78: {  	_ =	shalt  }
0x79: {  	_ =	shalt  }
0x7a: {  	_ =	shalt  }
0x7b: {  	_ =	shalt  }
0x7c: {  	_ =	shalt  }
0x7d: {  	_ =	shalt  }
0x7e: {  	_ =	shalt  }
0x7f: {  	_ =	shalt  }
0x80: {  	_ =	shalt  }
0x81: {  	_ =	shalt  }
0x82: {  	_ =	shalt  }
0x83: {  	_ =	shalt  }
0x84: {  	_ =	shalt  }
0x85: {  	_ =	shalt  }
0x86: {  	_ =	shalt  }
0x87: {  	_ =	shalt  }
.Lfunc_end0:
.L_simem_size_0:
called_computation_lowered:
.L_overlay_start_0:
0x88: {  	s2 =	sld [smem:$0x3FD9]  }
0x89: {  	s3 =	sld [smem:$0x3FFE];
	_ =	sdelay $0x1  }
0x8a: {  	s1 =	srdreg.scid  }
0x8b: {  	s0 =	sand.u32 $0x1, s1  }
0x8c: {  	s16 =	sshll.u32 s0, $0xA;
	s2 =	sadd.s32 s3, s2  }
0x8d: {  	s2 =	sadd.s32 s2, s16  }
0x8e: {  	[smem:$0x3FC2] =	sst s2  }
0x8f: {  	_ = 	snop  }
0x90: {  	(tm) =	ssettm $0x1  }
0x91: {  	s17 =	sld [smem:$0x3FFB];
	_ =	sdelay $0x3  }
0x92: {  	_ =	strace s17  }
0x93: {  	s2 =	sld [smem:$0x3FFC];
	_ =	sdelay $0x3  }
0x94: {  	_ =	strace s2  }
0x95: {  	s2 =	sld [smem:$0x3FFD];
	_ =	sdelay $0x3  }
0x96: {  	_ =	strace s2  }
0x97: {  	_ =	strace $0x8FFFFFFF  }
0x98: {  	s18 =	sld [smem:$0x3FDB];
	_ =	sdelay $0x1  }
0x99: {  	s19 =	simm.s32 $_scs_section_size  }
0x9a: {  	s4 =	simm.s32 $_size__tile_overlayer_lowered;
	s5 =	simm.s32 $_tile_overlayer_lowered  }
0x9b: {  	s22 =	simm.s32 $0x1BFF;
	s21 =	sshll.u32 s5, $0x1;
	s2 =	sadd.s32 s19, s18  }
0x9c: {  	s6 =	simm.s32 $0x0;
	s20 =	sshll.u32 s4, $0x1;
	s4 =	sadd.s32 s21, s2  }
0x9d: {  	[timem:s6], [sflag:s22] =	dma.local [hbm:s4], s20  }
0x9e: {  	_ =	swait.ge [sflag:s22], s20  }
0x9f: {  	s3 =	ssub.s32 $0x0, s20;
	[sflag:s22] =	ssyncset.done $0x0  }
0xa0: {  	[sflag:s22] =	ssyncadd.s32 s3;
	_ =	sdelay $0x1  }
0xa1: {  	s23 =	simm.s32 $0x1B8B  }
0xa2: {  	_ =	swait.ge [sflag:s23], $0x1  }
0xa3: {  	[sflag:s23] =	ssyncset.done $0x0  }
0xa4: {  	s25 =	simm.s32 $0x1B8E;
	s24 =	sld [smem:$0x3FFE];
	[sflag:s23] =	ssyncadd.s32 $0xFFFFFFFF  }
0xa5: {  	s26 =	simm.s32 $execute0_lowered;
	[smem:$0x3FD2] =	sst s25  }
0xa6: {  	s4 =	sshll.u32 s26, $0x1;
	_ =	strace $0x80000046;
	[dreg:$0x1] =	wrdreg $0xFFFFFFFF  }
0xa7: {  	s28 =	simm.s32 $_size_execute0_lowered;
	s2 =	sadd.s32 s2, s4;
	[dreg:$0x0] =	wrdreg $0x0  }
0xa8: {  	s4 =	sshll.u32 s28, $0x1;
	[dreg:$0x2] =	wrdreg s2  }
0xa9: {  	[dreg:$0x3] =	wrdreg s4  }
0xaa: {  	[dreg:$0x4] =	wrdreg $0xC0  }
0xab: {  	_ =	task [dreg:s6], $0x5FFFF  }
0xac: {  	[dreg:$0x1] =	wrdreg $0xFFFFFFFF  }
0xad: {  	[dreg:$0x0] =	wrdreg $0x60  }
0xae: {  	[dreg:$0x2] =	wrdreg s24  }
0xaf: {  	[dreg:$0x3] =	wrdreg $0x9  }
0xb0: {  	_ =	task.clear_ibuf [dreg:s6], $0x4FFFF;
	_ =	strace $0x90000046  }
0xb1: {  	s29 =	simm.s32 $0x9;
	_ =	strace $0x80000048  }
0xb2: {  	_ =	swait.ge [sflag:s29], $0x1  }
0xb3: {  	[sflag:s29] =	ssyncadd.s32 $0xFFFFFFFF  }
0xb4: {  	_ =	strace $0x90000048  }
0xb5: {  	_ =	sfence  }
0xb6: {  	s30 =	sld [smem:$0x0];
	_ =	sdelay $0x2  }
0xb7: {  	s31 =	sshll.u32 s1, $0xD;
	s1 =	sshrl.u32 s1, $0x2  }
0xb8: {  	s3 =	sand.u32 $0x4000, s31;
	s1 =	sadd.s32 s1, s30  }
0xb9: {  	s0 =	sor.u32 s3, s0;
	s1 =	sshll.u32 s1, $0x11  }
0xba: {  	s0 =	sor.u32 s1, s0  }
0xbb: {  	s0 =	sadd.s32 $0x8F2B, s0  }
0xbc: {  	[sflag:s0] =	ssyncadd.remote.s32 $0x1  }
0xbd: {  	_ =	sfence.sel $0xFFFF  }
0xbe: {  	[dreg:$0x0] =	wrdreg $0xFFFFFFFF;
	(pc) =	sbr.abs _section_cstart, $3  }
0xbf: {  	[dreg:$0x1] =	wrdreg $0xFFFFFFFF  }
0xc0: {  	_ =	task.clear_ibuf [dreg:s6], $0x2FFFF;
	_ =	strace $0x9FFFFFFF  }
0xc1: {  	(tm) =	ssettm $0x7FFFFFFF  }
tec
execute0_lowered:
.L_overlay_start_1:
0x0: {  	(tag) =	ssettag $0x1  }
0x1: {  	s0 =	srdreg.scid  }
0x2: {  	s4 =	rddreg [dreg:$0x0];
	s3 =	sand.u32 $0x1, s0  }
0x3: {  	s1 =	stileid.u32;
	s7 =	simm.s32 $0x2800;
	s2 =	sshll.u32 s3, $0x4  }
0x4: {  	s0 =	rddreg [dreg:$0x1];
	s3 =	ssub.s32 $0x2, s3;
	s5 =	sor.u32 s1, s2  }
0x5: {  	s2 =	simm.s32 $0x0;
	s6 =	sshrl.u32 s3, $0x1;
	s5 =	smul.u32 $0x500, s5  }
0x6: {  	s8 =	simm.s32 $0x0;
	[smem:$0x7FF] =	sst s2;
	s31 =	ssub.s32 s3, s6  }
0x7: {  	s6 =	simm.s32 $0x1;
	_ =	strace $0x80000047;
	s4 =	sadd.s32 s5, s4  }
0x8: {  	v0 =	vimm.f32 $0.0e+00;
	s5 =	smax.u32 s31, $0x1;
	s3 =	sadd.s32 $0x2400, s4;
	s4 =	sadd.s32 $0xC400, s4  }
.LBB2_1:
0x9: {  	[tilespmem:s2], [sflag:$0x1] =	stream.linear.gather [hbm4b:s3+s2], $0x2780, $0x38;
	[tilespmem:$0x5000] =	vst v63  }
0xa: {  	_ =	swait.ge [sflag:s6], $0x2780  }
0xb: {  	[sflag:s6] =	ssyncset.done $0x0  }
0xc: {  	s9 =	simm.s32 $0x0;
	s10 =	simm.s32 $0x200;
	[sflag:s6] =	ssyncadd.s32 $0xFFFFD880  }
.LBB2_2:
0xd: {  	p0 =	sne.s32 s10, $0x9C00;
	[tilespmem:s9+$0x2870] =	vst v0  }
0xe: {  	[tilespmem:s9+$0x2800] =	vst v0  }
0xf: {  	[tilespmem:s9+$0x2810] =	vst v0  }
.Ltmp0:
0x10: {  	[tilespmem:s9+$0x2820] =	vst v0;
	(pc) =	sbr.rel @p0 .LBB2_2-.Ltmp0, $4  }
0x11: {  	[tilespmem:s9+$0x2830] =	vst v0  }
0x12: {  	[tilespmem:s9+$0x2840] =	vst v0  }
0x13: {  	[tilespmem:s9+$0x2850] =	vst v0  }
0x14: {  	[tilespmem:s9+$0x2860] =	vst v0;
	s9 =	sshra.s32 s10, $0x2;
	s10 =	sadd.s32 $0x200, s10  }
0x15: {  	[tilespmem:s9+$0x2870] =	vst v0  }
0x16: {  	[tilespmem:s9+$0x2800] =	vst v0  }
0x17: {  	[tilespmem:s9+$0x2810] =	vst v0  }
0x18: {  	[tilespmem:s9+$0x2820] =	vst v0  }
0x19: {  	[tilespmem:s9+$0x2830] =	vst v0  }
0x1a: {  	[tilespmem:s9+$0x2840] =	vst v0  }
0x1b: {  	[tilespmem:s9+$0x2850] =	vst v0  }
0x1c: {  	[tilespmem:s9+$0x2860] =	vst v0;
	s9 =	simm.s32 $0x0  }
.LBB2_4:
0x1d: {  	s10 =	sshra.s32 s9, $0x2  }
0x1e: {  	v1 =	vld [tilespmem:s10+$0x0];
	_ =	sdelay $0x4  }
0x1f: {  	(xrf1) =	vunique.msk.u32 $0xffff, v1;
	_ =	sdelay $0xd  }
0x20: {  	_, v2, vm0 =	vpop (xrf1);
	_ =	sdelay $0x3  }
0x21: {  	v2 =	vcvt.s32.f32 v2;
	_ =	sdelay $0x1  }
0x22: {  	[tilespmem:v1+s7+$0x0] =	vst.idx.add.f32.msk vm0, v2  }
0x23: {  	v1 =	vld [tilespmem:s10+$0x10];
	_ =	sdelay $0x4  }
0x24: {  	(xrf1) =	vunique.msk.u32 $0xffff, v1;
	_ =	sdelay $0xd  }
0x25: {  	_, v2, vm0 =	vpop (xrf1);
	_ =	sdelay $0x3  }
0x26: {  	v2 =	vcvt.s32.f32 v2;
	_ =	sdelay $0x1  }
0x27: {  	[tilespmem:v1+s7+$0x0] =	vst.idx.add.f32.msk vm0, v2  }
0x28: {  	v1 =	vld [tilespmem:s10+$0x20];
	_ =	sdelay $0x4  }
0x29: {  	(xrf1) =	vunique.msk.u32 $0xffff, v1;
	_ =	sdelay $0xd  }
0x2a: {  	_, v2, vm0 =	vpop (xrf1);
	_ =	sdelay $0x3  }
0x2b: {  	v2 =	vcvt.s32.f32 v2;
	_ =	sdelay $0x1  }
0x2c: {  	[tilespmem:v1+s7+$0x0] =	vst.idx.add.f32.msk vm0, v2  }
0x2d: {  	v1 =	vld [tilespmem:s10+$0x30];
	_ =	sdelay $0x4  }
0x2e: {  	(xrf1) =	vunique.msk.u32 $0xffff, v1;
	_ =	sdelay $0xd  }
0x2f: {  	_, v2, vm0 =	vpop (xrf1);
	_ =	sdelay $0x3  }
0x30: {  	v2 =	vcvt.s32.f32 v2;
	_ =	sdelay $0x1  }
0x31: {  	[tilespmem:v1+s7+$0x0] =	vst.idx.add.f32.msk vm0, v2  }
0x32: {  	v1 =	vld [tilespmem:s10+$0x40];
	_ =	sdelay $0x4  }
0x33: {  	(xrf1) =	vunique.msk.u32 $0xffff, v1;
	_ =	sdelay $0xd  }
0x34: {  	_, v2, vm0 =	vpop (xrf1);
	_ =	sdelay $0x3  }
0x35: {  	v2 =	vcvt.s32.f32 v2;
	_ =	sdelay $0x1  }
0x36: {  	[tilespmem:v1+s7+$0x0] =	vst.idx.add.f32.msk vm0, v2  }
0x37: {  	v1 =	vld [tilespmem:s10+$0x50];
	_ =	sdelay $0x4  }
0x38: {  	(xrf1) =	vunique.msk.u32 $0xffff, v1;
	_ =	sdelay $0xd  }
0x39: {  	_, v2, vm0 =	vpop (xrf1);
	_ =	sdelay $0x3  }
0x3a: {  	v2 =	vcvt.s32.f32 v2;
	_ =	sdelay $0x1  }
0x3b: {  	[tilespmem:v1+s7+$0x0] =	vst.idx.add.f32.msk vm0, v2  }
0x3c: {  	v1 =	vld [tilespmem:s10+$0x60];
	_ =	sdelay $0x4  }
0x3d: {  	(xrf1) =	vunique.msk.u32 $0xffff, v1;
	_ =	sdelay $0xd  }
0x3e: {  	_, v2, vm0 =	vpop (xrf1);
	_ =	sdelay $0x3  }
0x3f: {  	v2 =	vcvt.s32.f32 v2;
	_ =	sdelay $0x1  }
0x40: {  	[tilespmem:v1+s7+$0x0] =	vst.idx.add.f32.msk vm0, v2  }
0x41: {  	v1 =	vld [tilespmem:s10+$0x70];
	_ =	sdelay $0x4  }
0x42: {  	(xrf1) =	vunique.msk.u32 $0xffff, v1;
	_ =	sdelay $0xd  }
0x43: {  	_, v2, vm0 =	vpop (xrf1)  }
0x44: {  	p0 =	sne.s32 s9, $0x9C00  }
.Ltmp1:
0x45: {  	_ = 	snop;
	(pc) =	sbr.rel @p0 .LBB2_4-.Ltmp1, $3  }
0x46: {  	_ = 	snop  }
0x47: {  	v2 =	vcvt.s32.f32 v2;
	_ =	sdelay $0x1  }
0x48: {  	s9 =	sadd.s32 $0x200, s9;
	[tilespmem:v1+s7+$0x0] =	vst.idx.add.f32.msk vm0, v2  }
0x49: {  	s8 =	sadd.s32 $0x1, s8  }
0x4a: {  	p0 =	sne.s32 s8, s5  }
.Ltmp2:
0x4b: {  	_ = 	snop;
	(pc) =	sbr.rel @p0 .LBB2_1-.Ltmp2, $4  }
0x4c: {  	[hbm4b:s4+s2] =	stream.linear.scatter [tilespmem:s7], [sflag:$0x1], $0x2780, $0x38;
	[tilespmem:$0x5000] =	vst v63  }
0x4d: {  	_ =	swait.ge [sflag:s6], $0x2780  }
0x4e: {  	[sflag:s6] =	ssyncset.done $0x0  }
0x4f: {  	[sflag:s6] =	ssyncadd.s32 $0xFFFFD880  }
0x50: {  	_ =	sfence.sel $0x180000  }
0x51: {  	[bflag:$0x0] =	sbarrier.arrive $0xFFFF  }
0x52: {  	p0 =	sne.s32 s1, $0x0;
	_ =	strace $0x90000047  }
0x53: {  	s0 =	sadd.s32 @!p0 $0x100000, s0;
	[bflag:$0x2] =	sbarrier.arrive $0xFFFF  }
0x54: {  	[sflag:s0] =	ssyncadd.tile.s32 @!p0 $0x1;
	_ =	shalt  }
.Lfunc_end2:
_tile_overlayer_lowered:
.L_overlay_start_2:
0x55: {  	(tag) =	ssettag $0x2  }
0x56: {  	s0 =	rddreg [dreg:$0x0];
	s2 =	stileid.u32  }
0x57: {  	s1 =	rddreg [dreg:$0x1];
	p0 =	sne.s32 s2, $0x0  }
0x58: {  	s3 =	rddreg [dreg:$0x2];
	[bflag:$0x3] =	sbarrier.arrive $0xFFFF;
	s2 =	simm.s32 @!p0 $0x1C01  }
0x59: {  	[timem:s3], [sflag:s2] =	dma.local @!p0 [hbm:s0], s1  }
0x5a: {  	s0 =	simm.s32 @!p0 $0x1  }
0x5b: {  	_ =	swait.ge @!p0 [sflag:s0], s1  }
0x5c: {  	s1 =	ssub.s32 @!p0 $0x0, s1;
	[sflag:s0] =	ssyncset.done @!p0 $0x0  }
0x5d: {  	[sflag:s0] =	ssyncadd.s32 @!p0 s1  }
0x5e: {  	[bflag:$0x3] =	sbarrier.arrive $0xFFFF  }
0x5f: {  	_ =	shalt  }

</sc_bundles>
